<compile_context>
chip_gen: v7x
topology: tpu7x:2x2x1
jax: 0.10.2.dev20260603
libtpu: 0.0.44.dev20260713+nightly
codegen_flags: <defaults>
</compile_context>

<pallas_src>
import functools

import jax
import jax.numpy as jnp
from jax import lax
from jax.experimental import pallas as pl
from jax.experimental.pallas import tpu as pltpu
from jax.experimental.pallas import tpu_sc as plsc

jax.config.update("jax_enable_x64", True)


def _z():
    return jnp.int32(0)


B = 4
C = 21
H = 512
WPX = 512
S = 1024
HW = H * WPX
NTILES = 32
TILES_PER_IMG = NTILES // B
PIX_PER_TILE = HW // TILES_PER_IMG
PIX_ROWS_PER_BLK = 64


def _stage1_body(pred_ref, psum_ref):
    psum_ref[...] = jnp.sum(pred_ref[...], axis=1).reshape(1, 1, PIX_PER_TILE)


def _stage1(pred):
    nblk = H // PIX_ROWS_PER_BLK
    return pl.pallas_call(
        _stage1_body,
        grid=(B, nblk),
        in_specs=[
            pl.BlockSpec((1, C, PIX_ROWS_PER_BLK, WPX), lambda k, j: (k, _z(), j, _z())),
        ],
        out_specs=pl.BlockSpec((1, 1, PIX_PER_TILE),
                               lambda k, j: (k * jnp.int32(8) + j, _z(), _z())),
        out_shape=jax.ShapeDtypeStruct((NTILES, 1, PIX_PER_TILE), jnp.float32),
    )(pred)


_mesh = plsc.VectorSubcoreMesh(core_axis_name="c", subcore_axis_name="s")


@functools.partial(
    pl.kernel,
    out_type=jax.ShapeDtypeStruct((B, 2, 2, S), jnp.float32),
    mesh=_mesh,
    scratch_types=[
        pltpu.VMEM((PIX_PER_TILE,), jnp.float32),
        pltpu.VMEM((PIX_PER_TILE,), jnp.int32),
        pltpu.VMEM((PIX_PER_TILE,), jnp.float32),
        pltpu.VMEM_SHARED((B * S,), jnp.float32),
        pltpu.VMEM_SHARED((B * S,), jnp.float32),
        pltpu.SemaphoreType.DMA,
        pltpu.SemaphoreType.DMA,
        pltpu.SemaphoreType.DMA,
        pltpu.SemaphoreType.DMA,
    ],
)
def _segsum(psum_hbm, lab_hbm, ones_hbm, zeros_hbm, out_hbm, val_v, idx_v, ones_v,
            acc_s, acc_c, sem1, sem2, sem3, sem4):
    cid = lax.axis_index("c")
    sid = lax.axis_index("s")
    wid = cid * jnp.int32(16) + sid
    img = wid // jnp.int32(TILES_PER_IMG)
    chunk = wid % jnp.int32(TILES_PER_IMG)

    d1 = pltpu.async_copy(psum_hbm.at[wid, jnp.int32(0)], val_v, sem1)
    d2 = pltpu.async_copy(
        lab_hbm.at[img, pl.ds(chunk * jnp.int32(PIX_PER_TILE), PIX_PER_TILE)], idx_v, sem2)
    d3 = pltpu.async_copy(ones_hbm, ones_v, sem3)

    @pl.when(sid == 0)
    def _():
        pltpu.sync_copy(zeros_hbm, acc_s)
        pltpu.sync_copy(zeros_hbm, acc_c)

    d1.wait()
    d2.wait()
    d3.wait()

    plsc.subcore_barrier()

    base = img * jnp.int32(S)
    s1 = pltpu.async_copy(val_v, acc_s.at[pl.ds(base, S)].at[idx_v], sem3, add=True)
    s2 = pltpu.async_copy(ones_v, acc_c.at[pl.ds(base, S)].at[idx_v], sem4, add=True)
    s1.wait()
    s2.wait()

    plsc.subcore_barrier()

    @pl.when(sid == 0)
    def _():
        for i in range(B):
            pltpu.sync_copy(acc_s.at[pl.ds(jnp.int32(i * S), S)],
                            out_hbm.at[jnp.int32(i), cid, jnp.int32(0)])
            pltpu.sync_copy(acc_c.at[pl.ds(jnp.int32(i * S), S)],
                            out_hbm.at[jnp.int32(i), cid, jnp.int32(1)])


def _stage3a_body(w_ref, out_ref):
    k = pl.program_id(0)
    out_ref[k, 0] = jnp.sum(w_ref[0] * w_ref[0])


def _stage3a(lap_w):
    return pl.pallas_call(
        _stage3a_body,
        grid=(B,),
        in_specs=[pl.BlockSpec((1, S, S), lambda k: (k, _z(), _z()))],
        out_specs=pl.BlockSpec((B, 1), lambda k: (_z(), _z()), memory_space=pltpu.SMEM),
        out_shape=jax.ShapeDtypeStruct((B, 1), jnp.float32),
        compiler_params=pltpu.CompilerParams(dimension_semantics=("arbitrary",)),
    )(lap_w)


def _stage3b_body(sc_ref, l_ref, w2_ref, out_ref, acc_ref):
    k = pl.program_id(0)
    sums = sc_ref[0, 0, 0] + sc_ref[0, 1, 0]
    cnts = sc_ref[0, 0, 1] + sc_ref[0, 1, 1]
    vals = jnp.where(cnts > 0.0, sums / jnp.maximum(cnts, 1.0), 0.0)
    vals = vals.reshape(1, S)
    y = jnp.dot(vals, l_ref[0], preferred_element_type=jnp.float32)
    acc_ref[k, 0] = jnp.sum(y * vals)

    @pl.when(k == B - 1)
    def _():
        tot = 0.0
        for i in range(B):
            tot += (2.0 * C) / jnp.sqrt(w2_ref[i, 0]) * acc_ref[i, 0]
        out_ref[0, 0] = tot


def _stage3b(sc_out, lap_l, w2):
    return pl.pallas_call(
        _stage3b_body,
        grid=(B,),
        in_specs=[
            pl.BlockSpec((1, 2, 2, S), lambda k: (k, _z(), _z(), _z())),
            pl.BlockSpec((1, S, S), lambda k: (k, _z(), _z())),
            pl.BlockSpec((B, 1), lambda k: (_z(), _z()), memory_space=pltpu.SMEM),
        ],
        out_specs=pl.BlockSpec((1, 1), lambda k: (_z(), _z()), memory_space=pltpu.SMEM),
        out_shape=jax.ShapeDtypeStruct((1, 1), jnp.float32),
        scratch_shapes=[pltpu.SMEM((B, 1), jnp.float32)],
        compiler_params=pltpu.CompilerParams(dimension_semantics=("arbitrary",)),
    )(sc_out, lap_l, w2)


def kernel(pred, Laplace_W, Laplace_L, image_spiex):
    lab = image_spiex.astype(jnp.int32).reshape(B, HW)
    psum = _stage1(pred)
    w2 = _stage3a(Laplace_W)
    ones = jnp.ones((PIX_PER_TILE,), jnp.float32)
    zeros = jnp.zeros((B * S,), jnp.float32)
    sc_out = _segsum(psum, lab, ones, zeros)
    loss = _stage3b(sc_out, Laplace_L, w2)
    return loss[0, 0].astype(jnp.float64)

# --- scband reference (transcript-rebuilt; emitter-appended) ---
"""Pipeline reference for scband-laplace-loss-35570919145577 (READ-ONLY COPY).

The authoritative reference and input builder live on the scoring server;
editing this copy changes nothing except your own understanding.
"""

import jax, jax.numpy as jnp
import numpy as np
jax.config.update("jax_enable_x64", True)


def setup_inputs(seed: int = 0) -> dict:
    key = jax.random.key(seed)
    k1, k2, k3, k4 = jax.random.split(key, 4)
    pred = jax.random.normal(k1, (4, 21, 512, 512), dtype=jnp.float32)
    Laplace_W = jax.random.normal(k2, (4, 1024, 1024), dtype=jnp.float32)
    Laplace_L = jax.random.normal(k3, (4, 1024, 1024), dtype=jnp.float32)
    image_spiex = jax.random.randint(k4, (4, 512, 512), 0, 1024, dtype=jnp.int64)
    return {"pred": pred, "Laplace_W": Laplace_W, "Laplace_L": Laplace_L, "image_spiex": image_spiex}


def reference(pred, Laplace_W, Laplace_L, image_spiex):
    # Faithful translation of LaplaceLoss.__call__:
    #  - per-image, per-superpixel mean of pred (note: original code assigns a
    #    SCALAR mask.sum()/maskp.sum() -- summed over pixels AND channels -- which
    #    broadcasts to all 21 channel slots; we reproduce that behavior).
    #  - result2 = result^T @ L[:N+1,:N+1] @ result, loss_k = 2/||W_k||_F * trace(result2)
    b = pred.shape[0]
    C = pred.shape[1]
    S = Laplace_L.shape[1]
    losses = []
    for k in range(b):
        predk = jnp.transpose(pred[k], (1, 2, 0)).reshape(-1, C).astype(jnp.float64)  # [HW, C]
        labels = image_spiex[k].reshape(-1)
        counts = jax.ops.segment_sum(jnp.ones(labels.shape, dtype=jnp.float64), labels, num_segments=S)
        sums = jax.ops.segment_sum(jnp.sum(predk, axis=1), labels, num_segments=S)
        safe = jnp.maximum(counts, 1.0)
        vals = jnp.where(counts > 0, sums / safe, 0.0)  # scalar per segment
        result_k = jnp.broadcast_to(vals[:, None], (S, C))  # broadcast to 21 channels (as in torch code)
        Lk = Laplace_L[k][:S, :S].astype(jnp.float64)
        Laplace = jnp.dot(result_k.T, Lk)          # [C, S]
        result2 = jnp.dot(Laplace, result_k)        # [C, C]
        loss_k = 2.0 / jnp.linalg.norm(Laplace_W[k].astype(jnp.float64)) * jnp.trace(result2)
        losses.append(loss_k)
    return jnp.sum(jnp.stack(losses))

if __name__ == "__main__":
    import jax
    _d = setup_inputs()
    print(jax.jit(kernel)(*tuple(_d.values())))

</pallas_src>

<mosaic_0001>
#map = affine_map<(d0, d1) -> (0, 0, 0)>
#map1 = affine_map<(d0, d1) -> (0, 0)>
#map2 = affine_map<(d0, d1) -> (0)>
#map3 = affine_map<(d0, d1) -> (0, 0, 0, 0)>
module attributes {stable_mosaic.version = 14 : i64} {
  func.func @_segsum(%arg0: i32, %arg1: i32, %arg2: memref<32x1x32768xf32, #tpu.memory_space<hbm>>, %arg3: memref<4x262144xi32, #tpu.memory_space<hbm>>, %arg4: memref<32768xf32, #tpu.memory_space<hbm>>, %arg5: memref<4096xf32, #tpu.memory_space<hbm>>, %arg6: memref<4x2x2x1024xf32, #tpu.memory_space<hbm>>, %arg7: memref<32768xf32, #tpu.memory_space<vmem>>, %arg8: memref<32768xi32, #tpu.memory_space<vmem>>, %arg9: memref<32768xf32, #tpu.memory_space<vmem>>, %arg10: memref<4096xf32, #tpu.memory_space<vmem_shared>>, %arg11: memref<4096xf32, #tpu.memory_space<vmem_shared>>, %arg12: memref<!tpu.dma_semaphore, #tpu.memory_space<semaphore_mem>>, %arg13: memref<!tpu.dma_semaphore, #tpu.memory_space<semaphore_mem>>, %arg14: memref<!tpu.dma_semaphore, #tpu.memory_space<semaphore_mem>>, %arg15: memref<!tpu.dma_semaphore, #tpu.memory_space<semaphore_mem>>) attributes {dimension_semantics = [#tpu.dimension_semantics<core_parallel>, #tpu.dimension_semantics<subcore_parallel>], iteration_bounds = array<i64: 2, 16>, scalar_prefetch = 0 : i64, scratch_operands = 9 : i64, tpu.core_type = #tpu.core_type<sc_vector_subcore>, window_params = [{transform_indices = #map}, {transform_indices = #map1}, {transform_indices = #map2}, {transform_indices = #map2}, {transform_indices = #map3}]} {
    %mul3A = arith.constant 16 : i32
    %mul3A_0 = arith.muli %arg0, %mul3A : i32
    %add3A = arith.addi %mul3A_0, %arg1 : i32
    %jit3A = arith.constant 8 : i32
    %div3A = arith.divsi %add3A, %jit3A : i32
    %sign3A = arith.constant 0 : i32
    %sign3A_1 = arith.cmpi sgt, %add3A, %sign3A : i32
    %sign3A_2 = arith.extui %sign3A_1 : i1 to i32
    %sign3A_3 = arith.constant 0 : i32
    %sign3A_4 = arith.cmpi slt, %add3A, %sign3A_3 : i32
    %sign3A_5 = arith.extui %sign3A_4 : i1 to i32
    %sign3A_6 = arith.subi %sign3A_2, %sign3A_5 : i32
    %sign3A_7 = arith.constant 0 : i32
    %sign3A_8 = arith.cmpi sgt, %jit3A, %sign3A_7 : i32
    %sign3A_9 = arith.extui %sign3A_8 : i1 to i32
    %sign3A_10 = arith.constant 0 : i32
    %sign3A_11 = arith.cmpi slt, %jit3A, %sign3A_10 : i32
    %sign3A_12 = arith.extui %sign3A_11 : i1 to i32
    %sign3A_13 = arith.subi %sign3A_9, %sign3A_12 : i32
    %ne3A = arith.cmpi ne, %sign3A_6, %sign3A_13 : i32
    %rem3A = arith.remsi %add3A, %jit3A : i32
    %ne3A_14 = arith.constant 0 : i32
    %ne3A_15 = arith.cmpi ne, %rem3A, %ne3A_14 : i32
    %and3A = arith.andi %ne3A, %ne3A_15 : i1
    %sub3A = arith.constant 1 : i32
    %sub3A_16 = arith.subi %div3A, %sub3A : i32
    %select_n3A = arith.select %and3A, %sub3A_16, %div3A : i32
    %jit3A_17 = arith.constant 8 : i32
    %eq3A = arith.constant 0 : i32
    %eq3A_18 = arith.cmpi eq, %jit3A_17, %eq3A : i32
    %jit3A_19 = arith.constant 1 : i32
    %select_n3A_20 = arith.select %eq3A_18, %jit3A_19, %jit3A_17 : i32
    %rem3A_21 = arith.remsi %add3A, %select_n3A_20 : i32
    %ne3A_22 = arith.constant 0 : i32
    %ne3A_23 = arith.cmpi ne, %rem3A_21, %ne3A_22 : i32
    %lt3A = arith.constant 0 : i32
    %lt3A_24 = arith.cmpi slt, %rem3A_21, %lt3A : i32
    %lt3A_25 = arith.constant 0 : i32
    %lt3A_26 = arith.cmpi slt, %select_n3A_20, %lt3A_25 : i32
    %ne3A_27 = arith.xori %lt3A_24, %lt3A_26 : i1
    %and3A_28 = arith.andi %ne3A_27, %ne3A_23 : i1
    %add3A_29 = arith.addi %rem3A_21, %select_n3A_20 : i32
    %select_n3A_30 = arith.select %and3A_28, %add3A_29, %rem3A_21 : i32
    %dma_start3A = arith.constant 0 : i32
    %dma_start3A_31 = arith.constant 0 : i32
    %dma_start3A_32 = tpu.memref_slice %arg2[%add3A, %dma_start3A, %dma_start3A_31] : memref<32x1x32768xf32, #tpu.memory_space<hbm>> -> memref<1x1x32768xf32, #tpu.memory_space<hbm>>
    %dma_start3A_33 = tpu.memref_squeeze %dma_start3A_32 : memref<1x1x32768xf32, #tpu.memory_space<hbm>> -> memref<32768xf32, #tpu.memory_space<hbm>>
    %dma_start3A_34 = arith.constant 0 : i32
    %dma_start3A_35 = tpu.memref_slice %arg2[%add3A, %dma_start3A, %dma_start3A_34] : memref<32x1x32768xf32, #tpu.memory_space<hbm>> -> memref<1x1x32768xf32, #tpu.memory_space<hbm>>
    %dma_start3A_36 = tpu.memref_squeeze %dma_start3A_35 : memref<1x1x32768xf32, #tpu.memory_space<hbm>> -> memref<32768xf32, #tpu.memory_space<hbm>>
    tpu.enqueue_dma source(%dma_start3A_36 : memref<32768xf32, #tpu.memory_space<hbm>>) target(%arg7 : memref<32768xf32, #tpu.memory_space<vmem>>) target_semaphore(%arg12 : memref<!tpu.dma_semaphore, #tpu.memory_space<semaphore_mem>>)
    %mul3A_37 = arith.constant 32768 : i32
    %mul3A_38 = arith.muli %select_n3A_30, %mul3A_37 : i32
    %dma_start3A_39 = tpu.memref_slice %arg3[%select_n3A, %mul3A_38] : memref<4x262144xi32, #tpu.memory_space<hbm>> -> memref<1x32768xi32, #tpu.memory_space<hbm>>
    %dma_start3A_40 = tpu.memref_squeeze %dma_start3A_39 : memref<1x32768xi32, #tpu.memory_space<hbm>> -> memref<32768xi32, #tpu.memory_space<hbm>>
    %dma_start3A_41 = tpu.memref_slice %arg3[%select_n3A, %mul3A_38] : memref<4x262144xi32, #tpu.memory_space<hbm>> -> memref<1x32768xi32, #tpu.memory_space<hbm>>
    %dma_start3A_42 = tpu.memref_squeeze %dma_start3A_41 : memref<1x32768xi32, #tpu.memory_space<hbm>> -> memref<32768xi32, #tpu.memory_space<hbm>>
    tpu.enqueue_dma source(%dma_start3A_42 : memref<32768xi32, #tpu.memory_space<hbm>>) target(%arg8 : memref<32768xi32, #tpu.memory_space<vmem>>) target_semaphore(%arg13 : memref<!tpu.dma_semaphore, #tpu.memory_space<semaphore_mem>>)
    tpu.enqueue_dma source(%arg4 : memref<32768xf32, #tpu.memory_space<hbm>>) target(%arg9 : memref<32768xf32, #tpu.memory_space<vmem>>) target_semaphore(%arg14 : memref<!tpu.dma_semaphore, #tpu.memory_space<semaphore_mem>>)
    %eq3A_43 = arith.constant 0 : i32
    %eq3A_44 = arith.cmpi eq, %arg1, %eq3A_43 : i32
    %convert_element_type3A = arith.extui %eq3A_44 : i1 to i32
    %cond3A = arith.constant 0 : i32
    %cond3A_45 = arith.cmpi ne, %convert_element_type3A, %cond3A : i32
    scf.if %cond3A_45 {
      "tpu.region"() ({
        %run_scoped3A = tpu.sem_alloc : memref<!tpu.dma_semaphore, #tpu.memory_space<semaphore_mem>>
        tpu.enqueue_dma source(%arg5 : memref<4096xf32, #tpu.memory_space<hbm>>) target(%arg10 : memref<4096xf32, #tpu.memory_space<vmem_shared>>) target_semaphore(%run_scoped3A : memref<!tpu.dma_semaphore, #tpu.memory_space<semaphore_mem>>)
        tpu.wait_dma2 semaphore(%run_scoped3A : memref<!tpu.dma_semaphore, #tpu.memory_space<semaphore_mem>>) src(%arg5 : memref<4096xf32, #tpu.memory_space<hbm>>) dst(%arg10 : memref<4096xf32, #tpu.memory_space<vmem_shared>>)
        tpu.yield
      }) : () -> ()
      "tpu.region"() ({
        %run_scoped3A = tpu.sem_alloc : memref<!tpu.dma_semaphore, #tpu.memory_space<semaphore_mem>>
        tpu.enqueue_dma source(%arg5 : memref<4096xf32, #tpu.memory_space<hbm>>) target(%arg11 : memref<4096xf32, #tpu.memory_space<vmem_shared>>) target_semaphore(%run_scoped3A : memref<!tpu.dma_semaphore, #tpu.memory_space<semaphore_mem>>)
        tpu.wait_dma2 semaphore(%run_scoped3A : memref<!tpu.dma_semaphore, #tpu.memory_space<semaphore_mem>>) src(%arg5 : memref<4096xf32, #tpu.memory_space<hbm>>) dst(%arg11 : memref<4096xf32, #tpu.memory_space<vmem_shared>>)
        tpu.yield
      }) : () -> ()
    } else {
    }
    %dma_wait3A = arith.constant 0 : i32
    %dma_wait3A_46 = arith.constant 0 : i32
    %dma_wait3A_47 = tpu.memref_slice %arg2[%add3A, %dma_wait3A, %dma_wait3A_46] : memref<32x1x32768xf32, #tpu.memory_space<hbm>> -> memref<1x1x32768xf32, #tpu.memory_space<hbm>>
    %dma_wait3A_48 = tpu.memref_squeeze %dma_wait3A_47 : memref<1x1x32768xf32, #tpu.memory_space<hbm>> -> memref<32768xf32, #tpu.memory_space<hbm>>
    %dma_wait3A_49 = arith.constant 0 : i32
    %dma_wait3A_50 = tpu.memref_slice %arg2[%add3A, %dma_wait3A, %dma_wait3A_49] : memref<32x1x32768xf32, #tpu.memory_space<hbm>> -> memref<1x1x32768xf32, #tpu.memory_space<hbm>>
    %dma_wait3A_51 = tpu.memref_squeeze %dma_wait3A_50 : memref<1x1x32768xf32, #tpu.memory_space<hbm>> -> memref<32768xf32, #tpu.memory_space<hbm>>
    tpu.wait_dma2 semaphore(%arg12 : memref<!tpu.dma_semaphore, #tpu.memory_space<semaphore_mem>>) src(%dma_wait3A_51 : memref<32768xf32, #tpu.memory_space<hbm>>) dst(%arg7 : memref<32768xf32, #tpu.memory_space<vmem>>)
    %dma_wait3A_52 = tpu.memref_slice %arg3[%select_n3A, %mul3A_38] : memref<4x262144xi32, #tpu.memory_space<hbm>> -> memref<1x32768xi32, #tpu.memory_space<hbm>>
    %dma_wait3A_53 = tpu.memref_squeeze %dma_wait3A_52 : memref<1x32768xi32, #tpu.memory_space<hbm>> -> memref<32768xi32, #tpu.memory_space<hbm>>
    %dma_wait3A_54 = tpu.memref_slice %arg3[%select_n3A, %mul3A_38] : memref<4x262144xi32, #tpu.memory_space<hbm>> -> memref<1x32768xi32, #tpu.memory_space<hbm>>
    %dma_wait3A_55 = tpu.memref_squeeze %dma_wait3A_54 : memref<1x32768xi32, #tpu.memory_space<hbm>> -> memref<32768xi32, #tpu.memory_space<hbm>>
    tpu.wait_dma2 semaphore(%arg13 : memref<!tpu.dma_semaphore, #tpu.memory_space<semaphore_mem>>) src(%dma_wait3A_55 : memref<32768xi32, #tpu.memory_space<hbm>>) dst(%arg8 : memref<32768xi32, #tpu.memory_space<vmem>>)
    tpu.wait_dma2 semaphore(%arg14 : memref<!tpu.dma_semaphore, #tpu.memory_space<semaphore_mem>>) src(%arg4 : memref<32768xf32, #tpu.memory_space<hbm>>) dst(%arg9 : memref<32768xf32, #tpu.memory_space<vmem>>)
    %barrier3A = arith.constant 0 : index
    tpu.barrier barrier_id(%barrier3A)
    %mul3A_56 = arith.constant 1024 : i32
    %mul3A_57 = arith.muli %select_n3A, %mul3A_56 : i32
    %dma_start3A_58 = tpu.memref_slice %arg10[%mul3A_57] : memref<4096xf32, #tpu.memory_space<vmem_shared>> -> memref<1024xf32, #tpu.memory_space<vmem_shared>>
    %dma_start3A_59 = arith.constant 0 : i32
    %dma_start3A_60 = tpu.memref_slice %dma_start3A_58[%dma_start3A_59] : memref<1024xf32, #tpu.memory_space<vmem_shared>> -> memref<1024xf32, #tpu.memory_space<vmem_shared>>
    tpu.enqueue_indirect_dma source(%arg7 : memref<32768xf32, #tpu.memory_space<vmem>>) target(%dma_start3A_60 : memref<1024xf32, #tpu.memory_space<vmem_shared>>) offsets(%arg8 : memref<32768xi32, #tpu.memory_space<vmem>>) semaphore(%arg14 : memref<!tpu.dma_semaphore, #tpu.memory_space<semaphore_mem>>) {add = true}
    %dma_start3A_61 = tpu.memref_slice %arg11[%mul3A_57] : memref<4096xf32, #tpu.memory_space<vmem_shared>> -> memref<1024xf32, #tpu.memory_space<vmem_shared>>
    %dma_start3A_62 = arith.constant 0 : i32
    %dma_start3A_63 = tpu.memref_slice %dma_start3A_61[%dma_start3A_62] : memref<1024xf32, #tpu.memory_space<vmem_shared>> -> memref<1024xf32, #tpu.memory_space<vmem_shared>>
    tpu.enqueue_indirect_dma source(%arg9 : memref<32768xf32, #tpu.memory_space<vmem>>) target(%dma_start3A_63 : memref<1024xf32, #tpu.memory_space<vmem_shared>>) offsets(%arg8 : memref<32768xi32, #tpu.memory_space<vmem>>) semaphore(%arg15 : memref<!tpu.dma_semaphore, #tpu.memory_space<semaphore_mem>>) {add = true}
    %dma_wait3A_64 = tpu.memref_slice %arg10[%mul3A_57] : memref<4096xf32, #tpu.memory_space<vmem_shared>> -> memref<1024xf32, #tpu.memory_space<vmem_shared>>
    %dma_wait3A_65 = arith.constant 0 : i32
    %dma_wait3A_66 = tpu.memref_slice %dma_wait3A_64[%dma_wait3A_65] : memref<1024xf32, #tpu.memory_space<vmem_shared>> -> memref<1024xf32, #tpu.memory_space<vmem_shared>>
    tpu.wait_indirect_dma semaphore(%arg14 : memref<!tpu.dma_semaphore, #tpu.memory_space<semaphore_mem>>) src(%arg7 : memref<32768xf32, #tpu.memory_space<vmem>>) dst(%dma_wait3A_66 : memref<1024xf32, #tpu.memory_space<vmem_shared>>)
    %dma_wait3A_67 = tpu.memref_slice %arg11[%mul3A_57] : memref<4096xf32, #tpu.memory_space<vmem_shared>> -> memref<1024xf32, #tpu.memory_space<vmem_shared>>
    %dma_wait3A_68 = arith.constant 0 : i32
    %dma_wait3A_69 = tpu.memref_slice %dma_wait3A_67[%dma_wait3A_68] : memref<1024xf32, #tpu.memory_space<vmem_shared>> -> memref<1024xf32, #tpu.memory_space<vmem_shared>>
    tpu.wait_indirect_dma semaphore(%arg15 : memref<!tpu.dma_semaphore, #tpu.memory_space<semaphore_mem>>) src(%arg9 : memref<32768xf32, #tpu.memory_space<vmem>>) dst(%dma_wait3A_69 : memref<1024xf32, #tpu.memory_space<vmem_shared>>)
    %barrier3A_70 = arith.constant 0 : index
    tpu.barrier barrier_id(%barrier3A_70)
    %eq3A_71 = arith.constant 0 : i32
    %eq3A_72 = arith.cmpi eq, %arg1, %eq3A_71 : i32
    %convert_element_type3A_73 = arith.extui %eq3A_72 : i1 to i32
    %cond3A_74 = arith.constant 0 : i32
    %cond3A_75 = arith.cmpi ne, %convert_element_type3A_73, %cond3A_74 : i32
    scf.if %cond3A_75 {
      %run_scoped3A = arith.constant 0 : i32
      %run_scoped3A_76 = arith.constant 0 : i32
      %run_scoped3A_77 = arith.constant 0 : i32
      "tpu.region"() ({
        %run_scoped3A_99 = tpu.sem_alloc : memref<!tpu.dma_semaphore, #tpu.memory_space<semaphore_mem>>
        %dma_start3A_100 = arith.constant 0 : i32
        %dma_start3A_101 = tpu.memref_slice %arg6[%run_scoped3A_76, %arg0, %run_scoped3A_77, %dma_start3A_100] : memref<4x2x2x1024xf32, #tpu.memory_space<hbm>> -> memref<1x1x1x1024xf32, #tpu.memory_space<hbm>>
        %dma_start3A_102 = tpu.memref_squeeze %dma_start3A_101 : memref<1x1x1x1024xf32, #tpu.memory_space<hbm>> -> memref<1024xf32, #tpu.memory_space<hbm>>
        %dma_start3A_103 = tpu.memref_slice %arg10[%run_scoped3A] : memref<4096xf32, #tpu.memory_space<vmem_shared>> -> memref<1024xf32, #tpu.memory_space<vmem_shared>>
        tpu.enqueue_dma source(%dma_start3A_103 : memref<1024xf32, #tpu.memory_space<vmem_shared>>) target(%dma_start3A_102 : memref<1024xf32, #tpu.memory_space<hbm>>) target_semaphore(%run_scoped3A_99 : memref<!tpu.dma_semaphore, #tpu.memory_space<semaphore_mem>>)
        %dma_wait3A_104 = arith.constant 0 : i32
        %dma_wait3A_105 = tpu.memref_slice %arg6[%run_scoped3A_76, %arg0, %run_scoped3A_77, %dma_wait3A_104] : memref<4x2x2x1024xf32, #tpu.memory_space<hbm>> -> memref<1x1x1x1024xf32, #tpu.memory_space<hbm>>
        %dma_wait3A_106 = tpu.memref_squeeze %dma_wait3A_105 : memref<1x1x1x1024xf32, #tpu.memory_space<hbm>> -> memref<1024xf32, #tpu.memory_space<hbm>>
        %dma_wait3A_107 = tpu.memref_slice %arg10[%run_scoped3A] : memref<4096xf32, #tpu.memory_space<vmem_shared>> -> memref<1024xf32, #tpu.memory_space<vmem_shared>>
        tpu.wait_dma2 semaphore(%run_scoped3A_99 : memref<!tpu.dma_semaphore, #tpu.memory_space<semaphore_mem>>) src(%dma_wait3A_107 : memref<1024xf32, #tpu.memory_space<vmem_shared>>) dst(%dma_wait3A_106 : memref<1024xf32, #tpu.memory_space<hbm>>)
        tpu.yield
      }) : () -> ()
      %run_scoped3A_78 = arith.constant 0 : i32
      %run_scoped3A_79 = arith.constant 0 : i32
      %run_scoped3A_80 = arith.constant 1 : i32
      "tpu.region"() ({
        %run_scoped3A_99 = tpu.sem_alloc : memref<!tpu.dma_semaphore, #tpu.memory_space<semaphore_mem>>
        %dma_start3A_100 = arith.constant 0 : i32
        %dma_start3A_101 = tpu.memref_slice %arg6[%run_scoped3A_79, %arg0, %run_scoped3A_80, %dma_start3A_100] : memref<4x2x2x1024xf32, #tpu.memory_space<hbm>> -> memref<1x1x1x1024xf32, #tpu.memory_space<hbm>>
        %dma_start3A_102 = tpu.memref_squeeze %dma_start3A_101 : memref<1x1x1x1024xf32, #tpu.memory_space<hbm>> -> memref<1024xf32, #tpu.memory_space<hbm>>
        %dma_start3A_103 = tpu.memref_slice %arg11[%run_scoped3A_78] : memref<4096xf32, #tpu.memory_space<vmem_shared>> -> memref<1024xf32, #tpu.memory_space<vmem_shared>>
        tpu.enqueue_dma source(%dma_start3A_103 : memref<1024xf32, #tpu.memory_space<vmem_shared>>) target(%dma_start3A_102 : memref<1024xf32, #tpu.memory_space<hbm>>) target_semaphore(%run_scoped3A_99 : memref<!tpu.dma_semaphore, #tpu.memory_space<semaphore_mem>>)
        %dma_wait3A_104 = arith.constant 0 : i32
        %dma_wait3A_105 = tpu.memref_slice %arg6[%run_scoped3A_79, %arg0, %run_scoped3A_80, %dma_wait3A_104] : memref<4x2x2x1024xf32, #tpu.memory_space<hbm>> -> memref<1x1x1x1024xf32, #tpu.memory_space<hbm>>
        %dma_wait3A_106 = tpu.memref_squeeze %dma_wait3A_105 : memref<1x1x1x1024xf32, #tpu.memory_space<hbm>> -> memref<1024xf32, #tpu.memory_space<hbm>>
        %dma_wait3A_107 = tpu.memref_slice %arg11[%run_scoped3A_78] : memref<4096xf32, #tpu.memory_space<vmem_shared>> -> memref<1024xf32, #tpu.memory_space<vmem_shared>>
        tpu.wait_dma2 semaphore(%run_scoped3A_99 : memref<!tpu.dma_semaphore, #tpu.memory_space<semaphore_mem>>) src(%dma_wait3A_107 : memref<1024xf32, #tpu.memory_space<vmem_shared>>) dst(%dma_wait3A_106 : memref<1024xf32, #tpu.memory_space<hbm>>)
        tpu.yield
      }) : () -> ()
      %run_scoped3A_81 = arith.constant 1024 : i32
      %run_scoped3A_82 = arith.constant 1 : i32
      %run_scoped3A_83 = arith.constant 0 : i32
      "tpu.region"() ({
        %run_scoped3A_99 = tpu.sem_alloc : memref<!tpu.dma_semaphore, #tpu.memory_space<semaphore_mem>>
        %dma_start3A_100 = arith.constant 0 : i32
        %dma_start3A_101 = tpu.memref_slice %arg6[%run_scoped3A_82, %arg0, %run_scoped3A_83, %dma_start3A_100] : memref<4x2x2x1024xf32, #tpu.memory_space<hbm>> -> memref<1x1x1x1024xf32, #tpu.memory_space<hbm>>
        %dma_start3A_102 = tpu.memref_squeeze %dma_start3A_101 : memref<1x1x1x1024xf32, #tpu.memory_space<hbm>> -> memref<1024xf32, #tpu.memory_space<hbm>>
        %dma_start3A_103 = tpu.memref_slice %arg10[%run_scoped3A_81] : memref<4096xf32, #tpu.memory_space<vmem_shared>> -> memref<1024xf32, #tpu.memory_space<vmem_shared>>
        tpu.enqueue_dma source(%dma_start3A_103 : memref<1024xf32, #tpu.memory_space<vmem_shared>>) target(%dma_start3A_102 : memref<1024xf32, #tpu.memory_space<hbm>>) target_semaphore(%run_scoped3A_99 : memref<!tpu.dma_semaphore, #tpu.memory_space<semaphore_mem>>)
        %dma_wait3A_104 = arith.constant 0 : i32
        %dma_wait3A_105 = tpu.memref_slice %arg6[%run_scoped3A_82, %arg0, %run_scoped3A_83, %dma_wait3A_104] : memref<4x2x2x1024xf32, #tpu.memory_space<hbm>> -> memref<1x1x1x1024xf32, #tpu.memory_space<hbm>>
        %dma_wait3A_106 = tpu.memref_squeeze %dma_wait3A_105 : memref<1x1x1x1024xf32, #tpu.memory_space<hbm>> -> memref<1024xf32, #tpu.memory_space<hbm>>
        %dma_wait3A_107 = tpu.memref_slice %arg10[%run_scoped3A_81] : memref<4096xf32, #tpu.memory_space<vmem_shared>> -> memref<1024xf32, #tpu.memory_space<vmem_shared>>
        tpu.wait_dma2 semaphore(%run_scoped3A_99 : memref<!tpu.dma_semaphore, #tpu.memory_space<semaphore_mem>>) src(%dma_wait3A_107 : memref<1024xf32, #tpu.memory_space<vmem_shared>>) dst(%dma_wait3A_106 : memref<1024xf32, #tpu.memory_space<hbm>>)
        tpu.yield
      }) : () -> ()
      %run_scoped3A_84 = arith.constant 1024 : i32
      %run_scoped3A_85 = arith.constant 1 : i32
      %run_scoped3A_86 = arith.constant 1 : i32
      "tpu.region"() ({
        %run_scoped3A_99 = tpu.sem_alloc : memref<!tpu.dma_semaphore, #tpu.memory_space<semaphore_mem>>
        %dma_start3A_100 = arith.constant 0 : i32
        %dma_start3A_101 = tpu.memref_slice %arg6[%run_scoped3A_85, %arg0, %run_scoped3A_86, %dma_start3A_100] : memref<4x2x2x1024xf32, #tpu.memory_space<hbm>> -> memref<1x1x1x1024xf32, #tpu.memory_space<hbm>>
        %dma_start3A_102 = tpu.memref_squeeze %dma_start3A_101 : memref<1x1x1x1024xf32, #tpu.memory_space<hbm>> -> memref<1024xf32, #tpu.memory_space<hbm>>
        %dma_start3A_103 = tpu.memref_slice %arg11[%run_scoped3A_84] : memref<4096xf32, #tpu.memory_space<vmem_shared>> -> memref<1024xf32, #tpu.memory_space<vmem_shared>>
        tpu.enqueue_dma source(%dma_start3A_103 : memref<1024xf32, #tpu.memory_space<vmem_shared>>) target(%dma_start3A_102 : memref<1024xf32, #tpu.memory_space<hbm>>) target_semaphore(%run_scoped3A_99 : memref<!tpu.dma_semaphore, #tpu.memory_space<semaphore_mem>>)
        %dma_wait3A_104 = arith.constant 0 : i32
        %dma_wait3A_105 = tpu.memref_slice %arg6[%run_scoped3A_85, %arg0, %run_scoped3A_86, %dma_wait3A_104] : memref<4x2x2x1024xf32, #tpu.memory_space<hbm>> -> memref<1x1x1x1024xf32, #tpu.memory_space<hbm>>
        %dma_wait3A_106 = tpu.memref_squeeze %dma_wait3A_105 : memref<1x1x1x1024xf32, #tpu.memory_space<hbm>> -> memref<1024xf32, #tpu.memory_space<hbm>>
        %dma_wait3A_107 = tpu.memref_slice %arg11[%run_scoped3A_84] : memref<4096xf32, #tpu.memory_space<vmem_shared>> -> memref<1024xf32, #tpu.memory_space<vmem_shared>>
        tpu.wait_dma2 semaphore(%run_scoped3A_99 : memref<!tpu.dma_semaphore, #tpu.memory_space<semaphore_mem>>) src(%dma_wait3A_107 : memref<1024xf32, #tpu.memory_space<vmem_shared>>) dst(%dma_wait3A_106 : memref<1024xf32, #tpu.memory_space<hbm>>)
        tpu.yield
      }) : () -> ()
      %run_scoped3A_87 = arith.constant 2048 : i32
      %run_scoped3A_88 = arith.constant 2 : i32
      %run_scoped3A_89 = arith.constant 0 : i32
      "tpu.region"() ({
        %run_scoped3A_99 = tpu.sem_alloc : memref<!tpu.dma_semaphore, #tpu.memory_space<semaphore_mem>>
        %dma_start3A_100 = arith.constant 0 : i32
        %dma_start3A_101 = tpu.memref_slice %arg6[%run_scoped3A_88, %arg0, %run_scoped3A_89, %dma_start3A_100] : memref<4x2x2x1024xf32, #tpu.memory_space<hbm>> -> memref<1x1x1x1024xf32, #tpu.memory_space<hbm>>
        %dma_start3A_102 = tpu.memref_squeeze %dma_start3A_101 : memref<1x1x1x1024xf32, #tpu.memory_space<hbm>> -> memref<1024xf32, #tpu.memory_space<hbm>>
        %dma_start3A_103 = tpu.memref_slice %arg10[%run_scoped3A_87] : memref<4096xf32, #tpu.memory_space<vmem_shared>> -> memref<1024xf32, #tpu.memory_space<vmem_shared>>
        tpu.enqueue_dma source(%dma_start3A_103 : memref<1024xf32, #tpu.memory_space<vmem_shared>>) target(%dma_start3A_102 : memref<1024xf32, #tpu.memory_space<hbm>>) target_semaphore(%run_scoped3A_99 : memref<!tpu.dma_semaphore, #tpu.memory_space<semaphore_mem>>)
        %dma_wait3A_104 = arith.constant 0 : i32
        %dma_wait3A_105 = tpu.memref_slice %arg6[%run_scoped3A_88, %arg0, %run_scoped3A_89, %dma_wait3A_104] : memref<4x2x2x1024xf32, #tpu.memory_space<hbm>> -> memref<1x1x1x1024xf32, #tpu.memory_space<hbm>>
        %dma_wait3A_106 = tpu.memref_squeeze %dma_wait3A_105 : memref<1x1x1x1024xf32, #tpu.memory_space<hbm>> -> memref<1024xf32, #tpu.memory_space<hbm>>
        %dma_wait3A_107 = tpu.memref_slice %arg10[%run_scoped3A_87] : memref<4096xf32, #tpu.memory_space<vmem_shared>> -> memref<1024xf32, #tpu.memory_space<vmem_shared>>
        tpu.wait_dma2 semaphore(%run_scoped3A_99 : memref<!tpu.dma_semaphore, #tpu.memory_space<semaphore_mem>>) src(%dma_wait3A_107 : memref<1024xf32, #tpu.memory_space<vmem_shared>>) dst(%dma_wait3A_106 : memref<1024xf32, #tpu.memory_space<hbm>>)
        tpu.yield
      }) : () -> ()
      %run_scoped3A_90 = arith.constant 2048 : i32
      %run_scoped3A_91 = arith.constant 2 : i32
      %run_scoped3A_92 = arith.constant 1 : i32
      "tpu.region"() ({
        %run_scoped3A_99 = tpu.sem_alloc : memref<!tpu.dma_semaphore, #tpu.memory_space<semaphore_mem>>
        %dma_start3A_100 = arith.constant 0 : i32
        %dma_start3A_101 = tpu.memref_slice %arg6[%run_scoped3A_91, %arg0, %run_scoped3A_92, %dma_start3A_100] : memref<4x2x2x1024xf32, #tpu.memory_space<hbm>> -> memref<1x1x1x1024xf32, #tpu.memory_space<hbm>>
        %dma_start3A_102 = tpu.memref_squeeze %dma_start3A_101 : memref<1x1x1x1024xf32, #tpu.memory_space<hbm>> -> memref<1024xf32, #tpu.memory_space<hbm>>
        %dma_start3A_103 = tpu.memref_slice %arg11[%run_scoped3A_90] : memref<4096xf32, #tpu.memory_space<vmem_shared>> -> memref<1024xf32, #tpu.memory_space<vmem_shared>>
        tpu.enqueue_dma source(%dma_start3A_103 : memref<1024xf32, #tpu.memory_space<vmem_shared>>) target(%dma_start3A_102 : memref<1024xf32, #tpu.memory_space<hbm>>) target_semaphore(%run_scoped3A_99 : memref<!tpu.dma_semaphore, #tpu.memory_space<semaphore_mem>>)
        %dma_wait3A_104 = arith.constant 0 : i32
        %dma_wait3A_105 = tpu.memref_slice %arg6[%run_scoped3A_91, %arg0, %run_scoped3A_92, %dma_wait3A_104] : memref<4x2x2x1024xf32, #tpu.memory_space<hbm>> -> memref<1x1x1x1024xf32, #tpu.memory_space<hbm>>
        %dma_wait3A_106 = tpu.memref_squeeze %dma_wait3A_105 : memref<1x1x1x1024xf32, #tpu.memory_space<hbm>> -> memref<1024xf32, #tpu.memory_space<hbm>>
        %dma_wait3A_107 = tpu.memref_slice %arg11[%run_scoped3A_90] : memref<4096xf32, #tpu.memory_space<vmem_shared>> -> memref<1024xf32, #tpu.memory_space<vmem_shared>>
        tpu.wait_dma2 semaphore(%run_scoped3A_99 : memref<!tpu.dma_semaphore, #tpu.memory_space<semaphore_mem>>) src(%dma_wait3A_107 : memref<1024xf32, #tpu.memory_space<vmem_shared>>) dst(%dma_wait3A_106 : memref<1024xf32, #tpu.memory_space<hbm>>)
        tpu.yield
      }) : () -> ()
      %run_scoped3A_93 = arith.constant 3072 : i32
      %run_scoped3A_94 = arith.constant 3 : i32
      %run_scoped3A_95 = arith.constant 0 : i32
      "tpu.region"() ({
        %run_scoped3A_99 = tpu.sem_alloc : memref<!tpu.dma_semaphore, #tpu.memory_space<semaphore_mem>>
        %dma_start3A_100 = arith.constant 0 : i32
        %dma_start3A_101 = tpu.memref_slice %arg6[%run_scoped3A_94, %arg0, %run_scoped3A_95, %dma_start3A_100] : memref<4x2x2x1024xf32, #tpu.memory_space<hbm>> -> memref<1x1x1x1024xf32, #tpu.memory_space<hbm>>
        %dma_start3A_102 = tpu.memref_squeeze %dma_start3A_101 : memref<1x1x1x1024xf32, #tpu.memory_space<hbm>> -> memref<1024xf32, #tpu.memory_space<hbm>>
        %dma_start3A_103 = tpu.memref_slice %arg10[%run_scoped3A_93] : memref<4096xf32, #tpu.memory_space<vmem_shared>> -> memref<1024xf32, #tpu.memory_space<vmem_shared>>
        tpu.enqueue_dma source(%dma_start3A_103 : memref<1024xf32, #tpu.memory_space<vmem_shared>>) target(%dma_start3A_102 : memref<1024xf32, #tpu.memory_space<hbm>>) target_semaphore(%run_scoped3A_99 : memref<!tpu.dma_semaphore, #tpu.memory_space<semaphore_mem>>)
        %dma_wait3A_104 = arith.constant 0 : i32
        %dma_wait3A_105 = tpu.memref_slice %arg6[%run_scoped3A_94, %arg0, %run_scoped3A_95, %dma_wait3A_104] : memref<4x2x2x1024xf32, #tpu.memory_space<hbm>> -> memref<1x1x1x1024xf32, #tpu.memory_space<hbm>>
        %dma_wait3A_106 = tpu.memref_squeeze %dma_wait3A_105 : memref<1x1x1x1024xf32, #tpu.memory_space<hbm>> -> memref<1024xf32, #tpu.memory_space<hbm>>
        %dma_wait3A_107 = tpu.memref_slice %arg10[%run_scoped3A_93] : memref<4096xf32, #tpu.memory_space<vmem_shared>> -> memref<1024xf32, #tpu.memory_space<vmem_shared>>
        tpu.wait_dma2 semaphore(%run_scoped3A_99 : memref<!tpu.dma_semaphore, #tpu.memory_space<semaphore_mem>>) src(%dma_wait3A_107 : memref<1024xf32, #tpu.memory_space<vmem_shared>>) dst(%dma_wait3A_106 : memref<1024xf32, #tpu.memory_space<hbm>>)
        tpu.yield
      }) : () -> ()
      %run_scoped3A_96 = arith.constant 3072 : i32
      %run_scoped3A_97 = arith.constant 3 : i32
      %run_scoped3A_98 = arith.constant 1 : i32
      "tpu.region"() ({
        %run_scoped3A_99 = tpu.sem_alloc : memref<!tpu.dma_semaphore, #tpu.memory_space<semaphore_mem>>
        %dma_start3A_100 = arith.constant 0 : i32
        %dma_start3A_101 = tpu.memref_slice %arg6[%run_scoped3A_97, %arg0, %run_scoped3A_98, %dma_start3A_100] : memref<4x2x2x1024xf32, #tpu.memory_space<hbm>> -> memref<1x1x1x1024xf32, #tpu.memory_space<hbm>>
        %dma_start3A_102 = tpu.memref_squeeze %dma_start3A_101 : memref<1x1x1x1024xf32, #tpu.memory_space<hbm>> -> memref<1024xf32, #tpu.memory_space<hbm>>
        %dma_start3A_103 = tpu.memref_slice %arg11[%run_scoped3A_96] : memref<4096xf32, #tpu.memory_space<vmem_shared>> -> memref<1024xf32, #tpu.memory_space<vmem_shared>>
        tpu.enqueue_dma source(%dma_start3A_103 : memref<1024xf32, #tpu.memory_space<vmem_shared>>) target(%dma_start3A_102 : memref<1024xf32, #tpu.memory_space<hbm>>) target_semaphore(%run_scoped3A_99 : memref<!tpu.dma_semaphore, #tpu.memory_space<semaphore_mem>>)
        %dma_wait3A_104 = arith.constant 0 : i32
        %dma_wait3A_105 = tpu.memref_slice %arg6[%run_scoped3A_97, %arg0, %run_scoped3A_98, %dma_wait3A_104] : memref<4x2x2x1024xf32, #tpu.memory_space<hbm>> -> memref<1x1x1x1024xf32, #tpu.memory_space<hbm>>
        %dma_wait3A_106 = tpu.memref_squeeze %dma_wait3A_105 : memref<1x1x1x1024xf32, #tpu.memory_space<hbm>> -> memref<1024xf32, #tpu.memory_space<hbm>>
        %dma_wait3A_107 = tpu.memref_slice %arg11[%run_scoped3A_96] : memref<4096xf32, #tpu.memory_space<vmem_shared>> -> memref<1024xf32, #tpu.memory_space<vmem_shared>>
        tpu.wait_dma2 semaphore(%run_scoped3A_99 : memref<!tpu.dma_semaphore, #tpu.memory_space<semaphore_mem>>) src(%dma_wait3A_107 : memref<1024xf32, #tpu.memory_space<vmem_shared>>) dst(%dma_wait3A_106 : memref<1024xf32, #tpu.memory_space<hbm>>)
        tpu.yield
      }) : () -> ()
    } else {
    }
    return
  }
}

module attributes {stable_mosaic.version = 14 : i64} {
  func.func @_stage1_body(%arg0: i32, %arg1: i32, %arg2: memref<1x21x64x512xf32, #tpu.memory_space<vmem>>, %arg3: memref<1x1x32768xf32, #tpu.memory_space<vmem>>) attributes {dimension_semantics = [#tpu.dimension_semantics<arbitrary>, #tpu.dimension_semantics<arbitrary>], iteration_bounds = array<i64: 4, 8>, scalar_prefetch = 0 : i64, scratch_operands = 0 : i64, tpu.core_type = #tpu.core_type<tc>, window_params = [{transform_indices = @transform_0, window_bounds = array<i64: 1, 21, 64, 512>}, {transform_indices = @transform_1, window_bounds = array<i64: 1, 1, 32768>}]} {
    %get3A = arith.constant 0 : index
    %get3A_0 = arith.constant 0 : index
    %get3A_1 = arith.constant 0 : index
    %get3A_2 = arith.constant 0 : index
    %get3A_3 = vector.load %arg2[%get3A, %get3A_0, %get3A_1, %get3A_2] : memref<1x21x64x512xf32, #tpu.memory_space<vmem>>, vector<1x21x64x512xf32>
    %reduce_sum3A = arith.constant dense<0.000000e+00> : vector<1x64x512xf32>
    %reduce_sum3A_4 = vector.multi_reduction <add>, %get3A_3, %reduce_sum3A [1] : vector<1x21x64x512xf32> to vector<1x64x512xf32>
    %reshape3A = vector.shape_cast %reduce_sum3A_4 : vector<1x64x512xf32> to vector<1x1x32768xf32>
    %swap3A = arith.constant 0 : index
    %swap3A_5 = arith.constant 0 : index
    %swap3A_6 = arith.constant 0 : index
    %swap3A_7 = vector.load %arg3[%swap3A, %swap3A_5, %swap3A_6] : memref<1x1x32768xf32, #tpu.memory_space<vmem>>, vector<1x1x32768xf32>
    tpu.vector_store %arg3[%swap3A, %swap3A_5, %swap3A_6], %reshape3A {strides = array<i32>} : memref<1x1x32768xf32, #tpu.memory_space<vmem>>, vector<1x1x32768xf32>,
    return
  }
  func.func @transform_0(%arg0: i32, %arg1: i32) -> (i32, i32, i32, i32) {
    %c0_i32 = arith.constant 0 : i32
    %c0_i32_0 = arith.constant 0 : i32
    %c0_i32_1 = arith.constant 0 : i32
    return %arg0, %c0_i32, %arg1, %c0_i32_0 : i32, i32, i32, i32
  }
  func.func @transform_1(%arg0: i32, %arg1: i32) -> (i32, i32, i32) {
    %mul3A = arith.constant 8 : i32
    %mul3A_0 = arith.muli %arg0, %mul3A : i32
    %add3A = arith.addi %mul3A_0, %arg1 : i32
    %c0_i32 = arith.constant 0 : i32
    %c0_i32_1 = arith.constant 0 : i32
    %c0_i32_2 = arith.constant 0 : i32
    return %add3A, %c0_i32, %c0_i32_1 : i32, i32, i32
  }
}

module attributes {stable_mosaic.version = 14 : i64} {
  func.func @_stage3a_body(%arg0: i32, %arg1: memref<1x1024x1024xf32, #tpu.memory_space<vmem>>, %arg2: memref<4x1xf32, #tpu.memory_space<smem>>) attributes {dimension_semantics = [#tpu.dimension_semantics<arbitrary>], iteration_bounds = array<i64: 4>, scalar_prefetch = 0 : i64, scratch_operands = 0 : i64, tpu.core_type = #tpu.core_type<tc>, window_params = [{transform_indices = @transform_0, window_bounds = array<i64: 1, 1024, 1024>}, {transform_indices = @transform_1, window_bounds = array<i64: 4, 1>}]} {
    %get3A = arith.constant 0 : index
    %get3A_0 = arith.constant 0 : index
    %get3A_1 = arith.constant 0 : index
    %get3A_2 = vector.load %arg1[%get3A, %get3A_0, %get3A_1] : memref<1x1024x1024xf32, #tpu.memory_space<vmem>>, vector<1x1024x1024xf32>
    %get3A_3 = vector.shape_cast %get3A_2 : vector<1x1024x1024xf32> to vector<1024x1024xf32>
    %get3A_4 = arith.constant 0 : index
    %get3A_5 = arith.constant 0 : index
    %get3A_6 = arith.constant 0 : index
    %get3A_7 = vector.load %arg1[%get3A_4, %get3A_5, %get3A_6] : memref<1x1024x1024xf32, #tpu.memory_space<vmem>>, vector<1x1024x1024xf32>
    %get3A_8 = vector.shape_cast %get3A_7 : vector<1x1024x1024xf32> to vector<1024x1024xf32>
    %mul3A = arith.mulf %get3A_3, %get3A_8 : vector<1024x1024xf32>
    %reduce_sum3A = vector.shape_cast %mul3A : vector<1024x1024xf32> to vector<1x1024x1024xf32>
    %reduce_sum3A_9 = arith.constant dense<0.000000e+00> : vector<1xf32>
    %reduce_sum3A_10 = vector.multi_reduction <add>, %reduce_sum3A, %reduce_sum3A_9 [1, 2] : vector<1x1024x1024xf32> to vector<1xf32>
    %reduce_sum3A_11 = vector.shape_cast %reduce_sum3A_10 : vector<1xf32> to vector<1x1x1xf32>
    %reduce_sum3A_12 = vector.extract %reduce_sum3A_11[0, 0, 0] : f32 from vector<1x1x1xf32>
    %swap3A = arith.index_cast %arg0 : i32 to index
    %swap3A_13 = arith.constant 0 : index
    %swap3A_14 = memref.load %arg2[%swap3A, %swap3A_13] : memref<4x1xf32, #tpu.memory_space<smem>>
    memref.store %reduce_sum3A_12, %arg2[%swap3A, %swap3A_13] : memref<4x1xf32, #tpu.memory_space<smem>>
    return
  }
  func.func @transform_0(%arg0: i32) -> (i32, i32, i32) {
    %c0_i32 = arith.constant 0 : i32
    %c0_i32_0 = arith.constant 0 : i32
    %c0_i32_1 = arith.constant 0 : i32
    return %arg0, %c0_i32, %c0_i32_0 : i32, i32, i32
  }
  func.func @transform_1(%arg0: i32) -> (i32, i32) {
    %c0_i32 = arith.constant 0 : i32
    %c0_i32_0 = arith.constant 0 : i32
    %c0_i32_1 = arith.constant 0 : i32
    return %c0_i32, %c0_i32_0 : i32, i32
  }
}

module attributes {stable_mosaic.version = 14 : i64} {
  func.func @_stage3b_body(%arg0: i32, %arg1: memref<1x2x2x1024xf32, #tpu.memory_space<vmem>>, %arg2: memref<1x1024x1024xf32, #tpu.memory_space<vmem>>, %arg3: memref<4x1xf32, #tpu.memory_space<smem>>, %arg4: memref<1x1xf32, #tpu.memory_space<smem>>, %arg5: memref<4x1xf32, #tpu.memory_space<smem>>) attributes {dimension_semantics = [#tpu.dimension_semantics<arbitrary>], iteration_bounds = array<i64: 4>, scalar_prefetch = 0 : i64, scratch_operands = 1 : i64, tpu.core_type = #tpu.core_type<tc>, window_params = [{transform_indices = @transform_0, window_bounds = array<i64: 1, 2, 2, 1024>}, {transform_indices = @transform_1, window_bounds = array<i64: 1, 1024, 1024>}, {transform_indices = @transform_2, window_bounds = array<i64: 4, 1>}, {transform_indices = @transform_3, window_bounds = array<i64: 1, 1>}]} {
    %get3A = arith.constant 0 : index
    %get3A_0 = arith.constant 0 : index
    %get3A_1 = arith.constant 0 : index
    %get3A_2 = arith.constant 0 : index
    %get3A_3 = vector.load %arg1[%get3A, %get3A_0, %get3A_1, %get3A_2] : memref<1x2x2x1024xf32, #tpu.memory_space<vmem>>, vector<1x1x1x1024xf32>
    %get3A_4 = vector.shape_cast %get3A_3 : vector<1x1x1x1024xf32> to vector<1024xf32>
    %get3A_5 = arith.constant 0 : index
    %get3A_6 = arith.constant 1 : index
    %get3A_7 = arith.constant 0 : index
    %get3A_8 = arith.constant 0 : index
    %get3A_9 = vector.load %arg1[%get3A_5, %get3A_6, %get3A_7, %get3A_8] : memref<1x2x2x1024xf32, #tpu.memory_space<vmem>>, vector<1x1x1x1024xf32>
    %get3A_10 = vector.shape_cast %get3A_9 : vector<1x1x1x1024xf32> to vector<1024xf32>
    %add3A = arith.addf %get3A_4, %get3A_10 : vector<1024xf32>
    %get3A_11 = arith.constant 0 : index
    %get3A_12 = arith.constant 0 : index
    %get3A_13 = arith.constant 1 : index
    %get3A_14 = arith.constant 0 : index
    %get3A_15 = vector.load %arg1[%get3A_11, %get3A_12, %get3A_13, %get3A_14] : memref<1x2x2x1024xf32, #tpu.memory_space<vmem>>, vector<1x1x1x1024xf32>
    %get3A_16 = vector.shape_cast %get3A_15 : vector<1x1x1x1024xf32> to vector<1024xf32>
    %get3A_17 = arith.constant 0 : index
    %get3A_18 = arith.constant 1 : index
    %get3A_19 = arith.constant 1 : index
    %get3A_20 = arith.constant 0 : index
    %get3A_21 = vector.load %arg1[%get3A_17, %get3A_18, %get3A_19, %get3A_20] : memref<1x2x2x1024xf32, #tpu.memory_space<vmem>>, vector<1x1x1x1024xf32>
    %get3A_22 = vector.shape_cast %get3A_21 : vector<1x1x1x1024xf32> to vector<1024xf32>
    %add3A_23 = arith.addf %get3A_16, %get3A_22 : vector<1024xf32>
    %gt3A = arith.constant 0.000000e+00 : f32
    %gt3A_24 = vector.broadcast %gt3A : f32 to vector<1024xf32>
    %gt3A_25 = arith.cmpf ogt, %add3A_23, %gt3A_24 : vector<1024xf32>
    %max3A = arith.constant 1.000000e+00 : f32
    %max3A_26 = vector.broadcast %max3A : f32 to vector<1024xf32>
    %max3A_27 = arith.maximumf %add3A_23, %max3A_26 : vector<1024xf32>
    %div3A = arith.divf %add3A, %max3A_27 : vector<1024xf32>
    %jit3A = arith.constant 0.000000e+00 : f64
    %convert_element_type3A = arith.truncf %jit3A : f64 to f32
    %broadcast_in_dim3A = vector.broadcast %convert_element_type3A : f32 to vector<1024xf32>
    %select_n3A = arith.select %gt3A_25, %div3A, %broadcast_in_dim3A : vector<1024xi1>, vector<1024xf32>
    %reshape3A = vector.shape_cast %select_n3A : vector<1024xf32> to vector<1x1024xf32>
    %get3A_28 = arith.constant 0 : index
    %get3A_29 = arith.constant 0 : index
    %get3A_30 = arith.constant 0 : index
    %get3A_31 = vector.load %arg2[%get3A_28, %get3A_29, %get3A_30] : memref<1x1024x1024xf32, #tpu.memory_space<vmem>>, vector<1x1024x1024xf32>
    %get3A_32 = vector.shape_cast %get3A_31 : vector<1x1024x1024xf32> to vector<1024x1024xf32>
    %dot_general3A = arith.constant dense<0.000000e+00> : vector<1x1024xf32>
    %dot_general3A_33 = tpu.matmul %reshape3A, %get3A_32, %dot_general3A {dimension_numbers = #tpu.dot_dimension_numbers<[1], [0], [0], [1], [0, 0, 1, 1], [], []>, transpose_lhs_hint = false} : vector<1x1024xf32>, vector<1024x1024xf32>, vector<1x1024xf32> -> vector<1x1024xf32>
    %mul3A = arith.mulf %dot_general3A_33, %reshape3A : vector<1x1024xf32>
    %reduce_sum3A = vector.shape_cast %mul3A : vector<1x1024xf32> to vector<1x1x1024xf32>
    %reduce_sum3A_34 = arith.constant dense<0.000000e+00> : vector<1xf32>
    %reduce_sum3A_35 = vector.multi_reduction <add>, %reduce_sum3A, %reduce_sum3A_34 [1, 2] : vector<1x1x1024xf32> to vector<1xf32>
    %reduce_sum3A_36 = vector.shape_cast %reduce_sum3A_35 : vector<1xf32> to vector<1x1x1xf32>
    %reduce_sum3A_37 = vector.extract %reduce_sum3A_36[0, 0, 0] : f32 from vector<1x1x1xf32>
    %swap3A = arith.index_cast %arg0 : i32 to index
    %swap3A_38 = arith.constant 0 : index
    %swap3A_39 = memref.load %arg5[%swap3A, %swap3A_38] : memref<4x1xf32, #tpu.memory_space<smem>>
    memref.store %reduce_sum3A_37, %arg5[%swap3A, %swap3A_38] : memref<4x1xf32, #tpu.memory_space<smem>>
    %eq3A = arith.constant 3 : i32
    %eq3A_40 = arith.cmpi eq, %arg0, %eq3A : i32
    %convert_element_type3A_41 = arith.extui %eq3A_40 : i1 to i32
    %cond3A = arith.constant 0 : i32
    %cond3A_42 = arith.cmpi ne, %convert_element_type3A_41, %cond3A : i32
    scf.if %cond3A_42 {
      %get3A_43 = arith.constant 0 : index
      %get3A_44 = arith.constant 0 : index
      %get3A_45 = memref.load %arg3[%get3A_43, %get3A_44] : memref<4x1xf32, #tpu.memory_space<smem>>
      %sqrt3A = math.sqrt %get3A_45 : f32
      %div3A_46 = arith.constant 4.200000e+01 : f32
      %div3A_47 = arith.divf %div3A_46, %sqrt3A : f32
      %get3A_48 = arith.constant 0 : index
      %get3A_49 = arith.constant 0 : index
      %get3A_50 = memref.load %arg5[%get3A_48, %get3A_49] : memref<4x1xf32, #tpu.memory_space<smem>>
      %mul3A_51 = arith.mulf %div3A_47, %get3A_50 : f32
      %add3A_52 = arith.constant 0.000000e+00 : f32
      %add3A_53 = arith.addf %add3A_52, %mul3A_51 : f32
      %get3A_54 = arith.constant 1 : index
      %get3A_55 = arith.constant 0 : index
      %get3A_56 = memref.load %arg3[%get3A_54, %get3A_55] : memref<4x1xf32, #tpu.memory_space<smem>>
      %sqrt3A_57 = math.sqrt %get3A_56 : f32
      %div3A_58 = arith.constant 4.200000e+01 : f32
      %div3A_59 = arith.divf %div3A_58, %sqrt3A_57 : f32
      %get3A_60 = arith.constant 1 : index
      %get3A_61 = arith.constant 0 : index
      %get3A_62 = memref.load %arg5[%get3A_60, %get3A_61] : memref<4x1xf32, #tpu.memory_space<smem>>
      %mul3A_63 = arith.mulf %div3A_59, %get3A_62 : f32
      %add3A_64 = arith.addf %add3A_53, %mul3A_63 : f32
      %get3A_65 = arith.constant 2 : index
      %get3A_66 = arith.constant 0 : index
      %get3A_67 = memref.load %arg3[%get3A_65, %get3A_66] : memref<4x1xf32, #tpu.memory_space<smem>>
      %sqrt3A_68 = math.sqrt %get3A_67 : f32
      %div3A_69 = arith.constant 4.200000e+01 : f32
      %div3A_70 = arith.divf %div3A_69, %sqrt3A_68 : f32
      %get3A_71 = arith.constant 2 : index
      %get3A_72 = arith.constant 0 : index
      %get3A_73 = memref.load %arg5[%get3A_71, %get3A_72] : memref<4x1xf32, #tpu.memory_space<smem>>
      %mul3A_74 = arith.mulf %div3A_70, %get3A_73 : f32
      %add3A_75 = arith.addf %add3A_64, %mul3A_74 : f32
      %get3A_76 = arith.constant 3 : index
      %get3A_77 = arith.constant 0 : index
      %get3A_78 = memref.load %arg3[%get3A_76, %get3A_77] : memref<4x1xf32, #tpu.memory_space<smem>>
      %sqrt3A_79 = math.sqrt %get3A_78 : f32
      %div3A_80 = arith.constant 4.200000e+01 : f32
      %div3A_81 = arith.divf %div3A_80, %sqrt3A_79 : f32
      %get3A_82 = arith.constant 3 : index
      %get3A_83 = arith.constant 0 : index
      %get3A_84 = memref.load %arg5[%get3A_82, %get3A_83] : memref<4x1xf32, #tpu.memory_space<smem>>
      %mul3A_85 = arith.mulf %div3A_81, %get3A_84 : f32
      %add3A_86 = arith.addf %add3A_75, %mul3A_85 : f32
      %swap3A_87 = arith.constant 0 : index
      %swap3A_88 = arith.constant 0 : index
      %swap3A_89 = memref.load %arg4[%swap3A_87, %swap3A_88] : memref<1x1xf32, #tpu.memory_space<smem>>
      memref.store %add3A_86, %arg4[%swap3A_87, %swap3A_88] : memref<1x1xf32, #tpu.memory_space<smem>>
    } else {
    }
    return
  }
  func.func @transform_0(%arg0: i32) -> (i32, i32, i32, i32) {
    %c0_i32 = arith.constant 0 : i32
    %c0_i32_0 = arith.constant 0 : i32
    %c0_i32_1 = arith.constant 0 : i32
    %c0_i32_2 = arith.constant 0 : i32
    return %arg0, %c0_i32, %c0_i32_0, %c0_i32_1 : i32, i32, i32, i32
  }
  func.func @transform_1(%arg0: i32) -> (i32, i32, i32) {
    %c0_i32 = arith.constant 0 : i32
    %c0_i32_0 = arith.constant 0 : i32
    %c0_i32_1 = arith.constant 0 : i32
    return %arg0, %c0_i32, %c0_i32_0 : i32, i32, i32
  }
  func.func @transform_2(%arg0: i32) -> (i32, i32) {
    %c0_i32 = arith.constant 0 : i32
    %c0_i32_0 = arith.constant 0 : i32
    %c0_i32_1 = arith.constant 0 : i32
    return %c0_i32, %c0_i32_0 : i32, i32
  }
  func.func @transform_3(%arg0: i32) -> (i32, i32) {
    %c0_i32 = arith.constant 0 : i32
    %c0_i32_0 = arith.constant 0 : i32
    %c0_i32_1 = arith.constant 0 : i32
    return %c0_i32, %c0_i32_0 : i32, i32
  }
}

</mosaic_0001>

<sc_bundles>
// kernel: kernel.6.cloned.1.call-start
scs
__scs_entry_jumppad:
0x0: {  	(pc) =	sbr.rel $0x88, $3  }
0x1: {  	(tag) =	ssettag $0x0;
	lr =	simm.s32 $0x1  }
0x2: {  	[smem:$0x3F9D] =	sst lr;
	_ =	strace $0xD0000000  }
0x3: {  	_ = 	snop  }
0x4: {  	_ = 	snop  }
0x5: {  	_ = 	snop  }
0x6: {  	_ = 	snop  }
0x7: {  	_ = 	snop  }
__scs_overlays_trampoline_lowered:
0x8: {  	[smem:$0x3FAC] =	sst s0  }
0x9: {  	[smem:$0x3FAD] =	sst s1  }
0xa: {  	[smem:$0x3FAE] =	sst s2  }
0xb: {  	[smem:$0x3FAF] =	sst s3  }
0xc: {  	[smem:$0x3FB0] =	sst s4  }
0xd: {  	[smem:$0x3FB1] =	sst s5  }
0xe: {  	[smem:$0x3FB2] =	sst s6  }
0xf: {  	[smem:$0x3FB3] =	sst s7  }
0x10: {  	[smem:$0x3FB4] =	sst s8  }
0x11: {  	[smem:$0x3FB5] =	sst s9;
	s0 =	simm.s32 @!p0 $0x0  }
0x12: {  	s1 =	sld [smem:$0x3F9B];
	s0 =	simm.s32 @p0 $0x1  }
0x13: {  	[smem:$0x3FB6] =	sst s0;
	s0 =	simm.s32 @!p1 $0x0  }
0x14: {  	s2 =	sld [smem:$0x3F9A];
	s0 =	simm.s32 @p1 $0x1  }
0x15: {  	[smem:$0x3FB7] =	sst s0;
	s0 =	simm.s32 @!p2 $0x0  }
0x16: {  	s3 =	sld [smem:$0x3FDB];
	s0 =	simm.s32 @p2 $0x1  }
0x17: {  	s4 =	simm.s32 $0x1BF5;
	[smem:$0x3FB9] =	sst s0  }
0x18: {  	s0 =	sld [smem:$0x3F9C];
	_ =	swait.ge [sflag:s4], $0x0  }
0x19: {  	s7 =	sld [smem:$0x3F9D]  }
0x1a: {  	s8 =	sadd.s32 $0xFFFFE003, lr  }
0x1b: {  	s9 =	sadd.s32 $0xFFFFFEF7, lr;
	s5 =	simm.s32 $0xFFFFFFFF;
	p2 =	slt.u32 s8, $0xFFFFF086  }
0x1c: {  	p1 =	slt.u32 s9, $0xF7A;
	s5 =	simm.s32 @!p2 $0x0  }
0x1d: {  	s5 =	simm.s32 @p1 $0x1;
	p0 =	seq.s32 s7, s2  }
0x1e: {  	s7 =	smul.u32 @!p0 $0xF7A, s2;
	p2 =	seq.s32 @!p0 s5, $0x0  }
0x1f: {  	s9 =	smul.u32 $0xF7A, s1;
	s8 =	simm.s32 @!p0 $0x1BF5;
	p2 =	por !p2, p0  }
0x20: {  	[sflag:s8] =	ssyncset.s32 @!p0 $0xFFFFF086;
	s6 =	sadd.s32 @!p0 s3, s7;
	s7 =	simm.s32 @!p0 $0x108  }
0x21: {  	s3 =	sadd.s32 s3, s9;
	s6 =	sadd.s32 @!p0 $0x88, s6;
	s7 =	simm.s32 @p2 $0x1082  }
0x22: {  	[simem:s7], [sflag:s8] =	dma.local @!p0 [hbm:s6], $0xF7A  }
0x23: {  	s9 =	sor.u32 $0xD0000000, s2;
	s6 =	simm.s32 $0x108;
	_ =	swait.ge @!p0 [sflag:s8], $0x0  }
0x24: {  	s3 =	sadd.s32 $0x88, s3;
	s6 =	simm.s32 @!p1 $0x1082;
	[sflag:s4] =	ssyncset.s32 $0xFFFFF086  }
0x25: {  	[simem:s6], [sflag:s4] =	dma.local [hbm:s3], $0xF7A  }
0x26: {  	[smem:$0x3F9D] =	sst s1;
	(tag) =	ssettag s2;
	_ =	strace s9  }
0x27: {  	s1 =	sld [smem:$0x3FAD]  }
0x28: {  	s2 =	sld [smem:$0x3FAE]  }
0x29: {  	s4 =	sld [smem:$0x3FB0]  }
0x2a: {  	p0 =	seq.s32 s5, $0x0;
	s5 =	sld [smem:$0x3FB1]  }
0x2b: {  	s6 =	sld [smem:$0x3FB2]  }
0x2c: {  	s7 =	sld [smem:$0x3FB3]  }
0x2d: {  	s3 =	simm.s32 $0x108;
	s8 =	sld [smem:$0x3FB4]  }
0x2e: {  	s3 =	simm.s32 @!p0 $0x1082;
	s9 =	sld [smem:$0x3FB5]  }
0x2f: {  	lr =	sadd.s32 s0, s3;
	s0 =	sld [smem:$0x3FAC]  }
0x30: {  	s3 =	sld [smem:$0x3FAF]  }
0x31: {  	[smem:$0x3FB8] =	sst s10  }
0x32: {  	s10 =	sld [smem:$0x3FB6];
	_ =	sdelay $0x3  }
0x33: {  	p0 =	seq.s32 s10, $0x1;
	s10 =	sld [smem:$0x3FB8];
	_ =	sdelay $0x3  }
0x34: {  	[smem:$0x3FB8] =	sst s10  }
0x35: {  	s10 =	sld [smem:$0x3FB7];
	_ =	sdelay $0x3  }
0x36: {  	p1 =	seq.s32 s10, $0x1;
	s10 =	sld [smem:$0x3FB8];
	_ =	sdelay $0x3  }
0x37: {  	[smem:$0x3FB8] =	sst s10  }
0x38: {  	s10 =	sld [smem:$0x3FB9]  }
0x39: {  	_ = 	snop;
	(pc) =	sbr.ind lr, $3  }
0x3a: {  	_ = 	snop  }
0x3b: {  	_ = 	snop  }
0x3c: {  	p2 =	seq.s32 s10, $0x1;
	s10 =	sld [smem:$0x3FB8]  }
0x3d: {  	_ =	shalt  }
0x3e: {  	_ =	shalt  }
0x3f: {  	_ =	shalt  }
0x40: {  	_ =	shalt  }
0x41: {  	_ =	shalt  }
0x42: {  	_ =	shalt  }
0x43: {  	_ =	shalt  }
0x44: {  	_ =	shalt  }
0x45: {  	_ =	shalt  }
0x46: {  	_ =	shalt  }
0x47: {  	_ =	shalt  }
0x48: {  	_ =	shalt  }
0x49: {  	_ =	shalt  }
0x4a: {  	_ =	shalt  }
0x4b: {  	_ =	shalt  }
0x4c: {  	_ =	shalt  }
0x4d: {  	_ =	shalt  }
0x4e: {  	_ =	shalt  }
0x4f: {  	_ =	shalt  }
0x50: {  	_ =	shalt  }
0x51: {  	_ =	shalt  }
0x52: {  	_ =	shalt  }
0x53: {  	_ =	shalt  }
0x54: {  	_ =	shalt  }
0x55: {  	_ =	shalt  }
0x56: {  	_ =	shalt  }
0x57: {  	_ =	shalt  }
0x58: {  	_ =	shalt  }
0x59: {  	_ =	shalt  }
0x5a: {  	_ =	shalt  }
0x5b: {  	_ =	shalt  }
0x5c: {  	_ =	shalt  }
0x5d: {  	_ =	shalt  }
0x5e: {  	_ =	shalt  }
0x5f: {  	_ =	shalt  }
0x60: {  	_ =	shalt  }
0x61: {  	_ =	shalt  }
0x62: {  	_ =	shalt  }
0x63: {  	_ =	shalt  }
0x64: {  	_ =	shalt  }
0x65: {  	_ =	shalt  }
0x66: {  	_ =	shalt  }
0x67: {  	_ =	shalt  }
0x68: {  	_ =	shalt  }
0x69: {  	_ =	shalt  }
0x6a: {  	_ =	shalt  }
0x6b: {  	_ =	shalt  }
0x6c: {  	_ =	shalt  }
0x6d: {  	_ =	shalt  }
0x6e: {  	_ =	shalt  }
0x6f: {  	_ =	shalt  }
0x70: {  	_ =	shalt  }
0x71: {  	_ =	shalt  }
0x72: {  	_ =	shalt  }
0x73: {  	_ =	shalt  }
0x74: {  	_ =	shalt  }
0x75: {  	_ =	shalt  }
0x76: {  	_ =	shalt  }
0x77: {  	_ =	shalt  }
0x78: {  	_ =	shalt  }
0x79: {  	_ =	shalt  }
0x7a: {  	_ =	shalt  }
0x7b: {  	_ =	shalt  }
0x7c: {  	_ =	shalt  }
0x7d: {  	_ =	shalt  }
0x7e: {  	_ =	shalt  }
0x7f: {  	_ =	shalt  }
0x80: {  	_ =	shalt  }
0x81: {  	_ =	shalt  }
0x82: {  	_ =	shalt  }
0x83: {  	_ =	shalt  }
0x84: {  	_ =	shalt  }
0x85: {  	_ =	shalt  }
0x86: {  	_ =	shalt  }
0x87: {  	_ =	shalt  }
.Lfunc_end0:
.L_simem_size_0:
called_computation_lowered:
.L_overlay_start_0:
0x88: {  	s2 =	sld [smem:$0x3FD9]  }
0x89: {  	s3 =	sld [smem:$0x3FFE];
	_ =	sdelay $0x1  }
0x8a: {  	s1 =	srdreg.scid  }
0x8b: {  	s0 =	sand.u32 $0x1, s1  }
0x8c: {  	s16 =	sshll.u32 s0, $0xA;
	s2 =	sadd.s32 s3, s2  }
0x8d: {  	s2 =	sadd.s32 s2, s16  }
0x8e: {  	[smem:$0x3FC4] =	sst s2  }
0x8f: {  	_ = 	snop  }
0x90: {  	(tm) =	ssettm $0x1  }
0x91: {  	s17 =	sld [smem:$0x3FFB];
	_ =	sdelay $0x3  }
0x92: {  	_ =	strace s17  }
0x93: {  	s2 =	sld [smem:$0x3FFC];
	_ =	sdelay $0x3  }
0x94: {  	_ =	strace s2  }
0x95: {  	s2 =	sld [smem:$0x3FFD];
	_ =	sdelay $0x3  }
0x96: {  	_ =	strace s2  }
0x97: {  	_ =	strace $0x8FFFFFFF  }
0x98: {  	s18 =	sld [smem:$0x3FDB];
	_ =	sdelay $0x1  }
0x99: {  	s19 =	simm.s32 $_scs_section_size  }
0x9a: {  	s4 =	simm.s32 $_size__tile_overlayer_lowered;
	s5 =	simm.s32 $_tile_overlayer_lowered  }
0x9b: {  	s22 =	simm.s32 $0x1BFF;
	s21 =	sshll.u32 s5, $0x1;
	s2 =	sadd.s32 s19, s18  }
0x9c: {  	s6 =	simm.s32 $0x0;
	s20 =	sshll.u32 s4, $0x1;
	s4 =	sadd.s32 s21, s2  }
0x9d: {  	[timem:s6], [sflag:s22] =	dma.local [hbm:s4], s20  }
0x9e: {  	_ =	swait.ge [sflag:s22], s20  }
0x9f: {  	s3 =	ssub.s32 $0x0, s20;
	[sflag:s22] =	ssyncset.done $0x0  }
0xa0: {  	[sflag:s22] =	ssyncadd.s32 s3;
	_ =	sdelay $0x1  }
0xa1: {  	s23 =	simm.s32 $0x1B8B  }
0xa2: {  	_ =	swait.ge [sflag:s23], $0x1  }
0xa3: {  	[sflag:s23] =	ssyncset.done $0x0  }
0xa4: {  	s25 =	simm.s32 $0x1B8E;
	s24 =	sld [smem:$0x3FFE];
	[sflag:s23] =	ssyncadd.s32 $0xFFFFFFFF  }
0xa5: {  	s26 =	simm.s32 $execute0_lowered;
	[smem:$0x3FD2] =	sst s25  }
0xa6: {  	s4 =	sshll.u32 s26, $0x1;
	_ =	strace $0x80000046;
	[dreg:$0x1] =	wrdreg $0xFFFFFFFF  }
0xa7: {  	s28 =	simm.s32 $_size_execute0_lowered;
	s2 =	sadd.s32 s2, s4;
	[dreg:$0x0] =	wrdreg $0x0  }
0xa8: {  	s4 =	sshll.u32 s28, $0x1;
	[dreg:$0x2] =	wrdreg s2  }
0xa9: {  	[dreg:$0x3] =	wrdreg s4  }
0xaa: {  	[dreg:$0x4] =	wrdreg $0xC0  }
0xab: {  	_ =	task [dreg:s6], $0x5FFFF  }
0xac: {  	[dreg:$0x1] =	wrdreg $0xFFFFFFFF  }
0xad: {  	[dreg:$0x0] =	wrdreg $0x60  }
0xae: {  	[dreg:$0x2] =	wrdreg s24  }
0xaf: {  	[dreg:$0x3] =	wrdreg $0x180000  }
0xb0: {  	[dreg:$0x4] =	wrdreg $0x181000  }
0xb1: {  	[dreg:$0x5] =	wrdreg $0x9  }
0xb2: {  	_ =	task.clear_ibuf [dreg:s6], $0x6FFFF;
	_ =	strace $0x90000046  }
0xb3: {  	s29 =	simm.s32 $0x9;
	_ =	strace $0x80000048  }
0xb4: {  	_ =	swait.ge [sflag:s29], $0x1  }
0xb5: {  	[sflag:s29] =	ssyncadd.s32 $0xFFFFFFFF  }
0xb6: {  	_ =	strace $0x90000048  }
0xb7: {  	_ =	sfence  }
0xb8: {  	s30 =	sld [smem:$0x0];
	_ =	sdelay $0x2  }
0xb9: {  	s31 =	sshll.u32 s1, $0xD;
	s1 =	sshrl.u32 s1, $0x2  }
0xba: {  	s3 =	sand.u32 $0x4000, s31;
	s1 =	sadd.s32 s1, s30  }
0xbb: {  	s0 =	sor.u32 s3, s0;
	s1 =	sshll.u32 s1, $0x11  }
0xbc: {  	s0 =	sor.u32 s1, s0  }
0xbd: {  	s0 =	sadd.s32 $0x8F2B, s0  }
0xbe: {  	[sflag:s0] =	ssyncadd.remote.s32 $0x1  }
0xbf: {  	_ =	sfence.sel $0xFFFF  }
0xc0: {  	[dreg:$0x0] =	wrdreg $0xFFFFFFFF;
	(pc) =	sbr.abs _section_cstart, $3  }
0xc1: {  	[dreg:$0x1] =	wrdreg $0xFFFFFFFF  }
0xc2: {  	_ =	task.clear_ibuf [dreg:s6], $0x2FFFF;
	_ =	strace $0x9FFFFFFF  }
0xc3: {  	(tm) =	ssettm $0x7FFFFFFF  }
tec
execute0_lowered:
.L_overlay_start_1:
0x0: {  	(tag) =	ssettag $0x1  }
0x1: {  	s0 =	srdreg.scid;
	s4 =	rddreg [dreg:$0x0]  }
0x2: {  	s7 =	stileid.u32;
	s16 =	rddreg [dreg:$0x1]  }
0x3: {  	s24 =	rddreg [dreg:$0x2];
	s15 =	simm.s32 $0x4;
	s1 =	sand.u32 $0x1, s0  }
0x4: {  	s2 =	sand.u32 $0x7, s7;
	s18 =	sadd.s32 $0x40C00, s4;
	s13 =	sadd.s32 $0x41C00, s4  }
0x5: {  	s11 =	sadd.s32 $0x400, s16;
	s12 =	sadd.s32 $0x400, s24;
	s0 =	sshll.u32 s1, $0x4  }
0x6: {  	p1 =	sne.s32 s2, $0x0;
	s8 =	sshll.u32 s2, $0x11;
	s2 =	simm.s32 $0x0  }
0x7: {  	s20 =	sshll.u32 s1, $0x8;
	s1 =	ssub.s32 $0x2, s1;
	s3 =	sor.u32 s7, s0  }
0x8: {  	s0 =	simm.s32 $0x1;
	[smem:$0x7FF] =	sst s2;
	s22 =	sadd.s32 s20, s4  }
0x9: {  	s26 =	sshrl.u32 s1, $0x1;
	s20 =	sadd.s32 $0x800, s16;
	p0 =	seq.s32 s3, $0x0  }
0xa: {  	s5 =	sshrl.u32 s3, $0x3;
	s3 =	sshll.u32 s3, $0xC;
	_ =	strace $0x80000047  }
0xb: {  	[dreg:$0x4] =	wrdreg s18;
	s25 =	sadd.s32 $0x41E00, s22;
	s28 =	sadd.s32 $0x41E10, s22  }
0xc: {  	s10 =	ssub.s32 s1, s26;
	s29 =	sadd.s32 $0x42000, s22;
	s26 =	sadd.s32 $0xC00, s16  }
0xd: {  	s1 =	sadd.s32 $0x42410, s22;
	s18 =	simm.s32 $0x3;
	[dreg:$0x9] =	wrdreg s25  }
0xe: {  	p0 =	por !p1, !p0;
	s3 =	sadd.s32 s3, s4;
	[dreg:$0xa] =	wrdreg s28  }
0xf: {  	[dreg:$0xb] =	wrdreg s29;
	s25 =	sadd.s32 $0x800, s24;
	s28 =	sadd.s32 $0xC00, s24  }
0x10: {  	s29 =	smax.u32 s10, $0x1;
	p1 =	por $0x0, $0x0;
	p0 =	por !p0, !p0  }
0x11: {  	s3 =	sadd.s32 $0x20C00, s3;
	s30 =	sadd.s32 $0xFFFFFFFF, s29;
	s0 =	simm.s32 @!p0 $0x0  }
0x12: {  	[dreg:$0x5] =	wrdreg s3;
	s3 =	sadd.s32 $0x42400, s22;
	p0 =	sne.s32 s7, $0x0  }
0x13: {  	p2 =	sne.s32 s30, $0x0;
	s5 =	ssub.s32 s5, s0;
	s14 =	sshrl.u32 @!p0 s11, $0x3  }
0x14: {  	s12 =	sshrl.u32 @!p0 s12, $0x3;
	s11 =	sshrl.u32 @!p0 s20, $0x3;
	s10 =	sshrl.u32 @!p0 s25, $0x3  }
0x15: {  	s7 =	sshrl.u32 @!p0 s28, $0x3;
	s31 =	rddreg [dreg:$0x5];
	s20 =	sshrl.u32 @!p0 s16, $0x3  }
0x16: {  	s6 =	sshll.u32 s5, $0x12;
	s9 =	sshll.u32 s5, $0x7;
	s5 =	sshll.u32 s5, $0xA  }
0x17: {  	s6 =	sand.u32 $0xFFF00000, s6;
	s17 =	sand.u32 $0x180, s9;
	s21 =	sadd.s32 s5, s16  }
0x18: {  	s23 =	sadd.s32 s5, s24;
	s5 =	sadd.s32 $0x42200, s22;
	s9 =	sshrl.u32 @!p0 s26, $0x3  }
0x19: {  	s16 =	sshrl.u32 @!p0 s24, $0x3;
	s6 =	sor.u32 s8, s6;
	s8 =	simm.s32 $0x1  }
.Ltmp0:
0x1a: {  	[dreg:$0x7] =	wrdreg s21;
	s6 =	sor.u32 s17, s6;
	(pc) =	sbr.rel @!p2 .LBB2_1-.Ltmp0, $4  }
0x1b: {  	[dreg:$0x8] =	wrdreg s23;
	s23 =	simm.s32 $0x200;
	s6 =	sshrl.u32 s6, $0x3  }
0x1c: {  	s21 =	simm.s32 $0x2;
	s17 =	simm.s32 $0x8000;
	s6 =	sadd.s32 s6, s4  }
0x1d: {  	s4 =	sadd.s32 $0x42210, s22;
	s19 =	sadd.s32 $0xC00, s6;
	s6 =	sadd.s32 $0x42010, s22  }
0x1e: {  	s22 =	simm.s32 $0x80;
	[dreg:$0x6] =	wrdreg s19;
	s19 =	simm.s32 $0x10000  }
0x1f: {  	[tilespmem:s2], [sflag:$0x1] =	stream.linear.gather [hbm4b:s31+s2], $0x8000, $0x38;
	[tilespmem:$0x18200] =	vst v63  }
0x20: {  	s24 =	rddreg [dreg:$0x6]  }
0x21: {  	[tilespmem:s17], [sflag:$0x2] =	stream.strided.gather [hbm4b:s24+s22], $0x8000, s23, s22, $0x38;
	[tilespmem:$0x18200] =	vst v63  }
0x22: {  	s26 =	rddreg [dreg:$0x4];
	s25 =	simm.s32 @!p0 $0x1C05;
	s24 =	simm.s32 @!p0 $0x5  }
0x23: {  	[tilespmem:s19], [sflag:$0x3] =	stream.linear.gather [hbm4b:s26+s2], $0x8000, $0x38;
	[tilespmem:$0x18200] =	vst v63  }
0x24: {  	[spmem:s20], [sflag:s25] =	dma.local @!p0 [hbm:s13], $0x200  }
0x25: {  	_ =	swait.ge @!p0 [sflag:s24], $0x200  }
0x26: {  	[sflag:s24] =	ssyncset.done @!p0 $0x0  }
0x27: {  	[sflag:s24] =	ssyncadd.s32 @!p0 $0xFFFFFE00  }
0x28: {  	[spmem:s16], [sflag:s25] =	dma.local @!p0 [hbm:s13], $0x200  }
0x29: {  	_ =	swait.ge @!p0 [sflag:s24], $0x200  }
0x2a: {  	[sflag:s24] =	ssyncset.done @!p0 $0x0  }
0x2b: {  	[sflag:s24] =	ssyncadd.s32 @!p0 $0xFFFFFE00  }
0x2c: {  	_ =	swait.ge [sflag:s8], $0x8000  }
0x2d: {  	[sflag:s8] =	ssyncset.done $0x0  }
0x2e: {  	[sflag:s8] =	ssyncadd.s32 $0xFFFF8000  }
0x2f: {  	_ =	swait.ge [sflag:s21], $0x8000  }
0x30: {  	[sflag:s21] =	ssyncset.done $0x0  }
0x31: {  	[sflag:s21] =	ssyncadd.s32 $0xFFFF8000  }
0x32: {  	_ =	swait.ge [sflag:s18], $0x8000  }
0x33: {  	[sflag:s18] =	ssyncset.done $0x0  }
0x34: {  	[sflag:s18] =	ssyncadd.s32 $0xFFFF8000  }
0x35: {  	[bflag:$0x0] =	sbarrier.arrive $0xFFFF  }
0x36: {  	s0 =	rddreg [dreg:$0x7]  }
0x37: {  	[spmem:s0] =	stream.indirect.scatter.add.f32 [tilespmem:s2], [sflag:$0x3], $0x1, s17, s17, $0xb8;
	[tilespmem:$0x18200] =	vst v63  }
0x38: {  	s28 =	rddreg [dreg:$0x8]  }
0x39: {  	[spmem:s28] =	stream.indirect.scatter.add.f32 [tilespmem:s19], [sflag:$0x4], $0x1, s17, s17, $0xb8;
	[tilespmem:$0x18200] =	vst v63  }
0x3a: {  	_ =	swait.ge [sflag:s18], $0x8000  }
0x3b: {  	[sflag:s18] =	ssyncset.done $0x0  }
0x3c: {  	[sflag:s18] =	ssyncadd.s32 $0xFFFF8000  }
0x3d: {  	_ =	swait.ge [sflag:s15], $0x8000  }
0x3e: {  	[sflag:s15] =	ssyncset.done $0x0  }
0x3f: {  	[sflag:s15] =	ssyncadd.s32 $0xFFFF8000  }
0x40: {  	s29 =	simm.s32 @!p0 $0x10;
	[bflag:$0x0] =	sbarrier.arrive $0xFFFF  }
0x41: {  	s26 =	simm.s32 @!p0 $0x1;
	s28 =	simm.s32 @!p0 $0x20;
	s31 =	rddreg [dreg:$0x9]  }
0x42: {  	[hbm:s31@s28], [sflag:s25] =	dma.strided @!p0 [spmem:s20@s29], $0x80, s26, $0x10   }
0x43: {  	_ =	swait.ge @!p0 [sflag:s24], $0x80  }
0x44: {  	[sflag:s24] =	ssyncset.done @!p0 $0x0  }
0x45: {  	s31 =	rddreg [dreg:$0xa];
	[sflag:s24] =	ssyncadd.s32 @!p0 $0xFFFFFF80  }
0x46: {  	[hbm:s31@s28], [sflag:s25] =	dma.strided @!p0 [spmem:s16@s29], $0x80, s26, $0x10   }
0x47: {  	_ =	swait.ge @!p0 [sflag:s24], $0x80  }
0x48: {  	[sflag:s24] =	ssyncset.done @!p0 $0x0  }
0x49: {  	s31 =	rddreg [dreg:$0xb];
	[sflag:s24] =	ssyncadd.s32 @!p0 $0xFFFFFF80  }
0x4a: {  	[hbm:s31@s28], [sflag:s25] =	dma.strided @!p0 [spmem:s14@s29], $0x80, s26, $0x10   }
0x4b: {  	_ =	swait.ge @!p0 [sflag:s24], $0x80  }
0x4c: {  	[sflag:s24] =	ssyncset.done @!p0 $0x0  }
0x4d: {  	[sflag:s24] =	ssyncadd.s32 @!p0 $0xFFFFFF80  }
0x4e: {  	[hbm:s6@s28], [sflag:s25] =	dma.strided @!p0 [spmem:s12@s29], $0x80, s26, $0x10   }
0x4f: {  	_ =	swait.ge @!p0 [sflag:s24], $0x80  }
0x50: {  	[sflag:s24] =	ssyncset.done @!p0 $0x0  }
0x51: {  	[sflag:s24] =	ssyncadd.s32 @!p0 $0xFFFFFF80  }
0x52: {  	[hbm:s5@s28], [sflag:s25] =	dma.strided @!p0 [spmem:s11@s29], $0x80, s26, $0x10   }
0x53: {  	_ =	swait.ge @!p0 [sflag:s24], $0x80  }
0x54: {  	[sflag:s24] =	ssyncset.done @!p0 $0x0  }
0x55: {  	[sflag:s24] =	ssyncadd.s32 @!p0 $0xFFFFFF80  }
0x56: {  	[hbm:s4@s28], [sflag:s25] =	dma.strided @!p0 [spmem:s10@s29], $0x80, s26, $0x10   }
0x57: {  	_ =	swait.ge @!p0 [sflag:s24], $0x80  }
0x58: {  	[sflag:s24] =	ssyncset.done @!p0 $0x0  }
0x59: {  	s30 =	sadd.s32 $0xFFFFFFFF, s30;
	[sflag:s24] =	ssyncadd.s32 @!p0 $0xFFFFFF80  }
0x5a: {  	[hbm:s3@s28], [sflag:s25] =	dma.strided @!p0 [spmem:s9@s29], $0x80, s26, $0x10   }
0x5b: {  	p2 =	sne.s32 s30, $0x0;
	_ =	swait.ge @!p0 [sflag:s24], $0x80  }
.Ltmp1:
0x5c: {  	[sflag:s24] =	ssyncset.done @!p0 $0x0;
	(pc) =	sbr.rel @!p2 .LBB2_4-.Ltmp1, $4  }
0x5d: {  	[sflag:s24] =	ssyncadd.s32 @!p0 $0xFFFFFF80  }
0x5e: {  	[hbm:s1@s28], [sflag:s25] =	dma.strided @!p0 [spmem:s7@s29], $0x80, s26, $0x10   }
0x5f: {  	_ =	swait.ge @!p0 [sflag:s24], $0x80  }
0x60: {  	p1 =	por $0x1, $0x1;
	s31 =	rddreg [dreg:$0x5];
	[sflag:s24] =	ssyncset.done @!p0 $0x0  }
.LBB2_3:
0x61: {  	[sflag:s24] =	ssyncadd.s32 @!p0 $0xFFFFFF80  }
0x62: {  	[tilespmem:s2], [sflag:$0x1] =	stream.linear.gather [hbm4b:s31+s2], $0x8000, $0x38;
	[tilespmem:$0x18200] =	vst v63  }
0x63: {  	s0 =	rddreg [dreg:$0x6]  }
0x64: {  	[tilespmem:s17], [sflag:$0x2] =	stream.strided.gather [hbm4b:s0+s22], $0x8000, s23, s22, $0x38;
	[tilespmem:$0x18200] =	vst v63  }
0x65: {  	s31 =	rddreg [dreg:$0x4]  }
0x66: {  	[tilespmem:s19], [sflag:$0x3] =	stream.linear.gather [hbm4b:s31+s2], $0x8000, $0x38;
	[tilespmem:$0x18200] =	vst v63  }
0x67: {  	[spmem:s20], [sflag:s25] =	dma.local @!p0 [hbm:s13], $0x200  }
0x68: {  	_ =	swait.ge @!p0 [sflag:s24], $0x200  }
0x69: {  	[sflag:s24] =	ssyncset.done @!p0 $0x0  }
0x6a: {  	[sflag:s24] =	ssyncadd.s32 @!p0 $0xFFFFFE00  }
0x6b: {  	[spmem:s16], [sflag:s25] =	dma.local @!p0 [hbm:s13], $0x200  }
0x6c: {  	_ =	swait.ge @!p0 [sflag:s24], $0x200  }
0x6d: {  	[sflag:s24] =	ssyncset.done @!p0 $0x0  }
0x6e: {  	[sflag:s24] =	ssyncadd.s32 @!p0 $0xFFFFFE00  }
0x6f: {  	_ =	swait.ge [sflag:s8], $0x8000  }
0x70: {  	[sflag:s8] =	ssyncset.done $0x0  }
0x71: {  	[sflag:s8] =	ssyncadd.s32 $0xFFFF8000  }
0x72: {  	_ =	swait.ge [sflag:s21], $0x8000  }
0x73: {  	[sflag:s21] =	ssyncset.done $0x0  }
0x74: {  	[sflag:s21] =	ssyncadd.s32 $0xFFFF8000  }
0x75: {  	_ =	swait.ge [sflag:s18], $0x8000  }
0x76: {  	[sflag:s18] =	ssyncset.done $0x0  }
0x77: {  	[sflag:s18] =	ssyncadd.s32 $0xFFFF8000  }
0x78: {  	[bflag:$0x0] =	sbarrier.arrive $0xFFFF  }
0x79: {  	s0 =	rddreg [dreg:$0x7]  }
0x7a: {  	[spmem:s0] =	stream.indirect.scatter.add.f32 [tilespmem:s2], [sflag:$0x3], $0x1, s17, s17, $0xb8;
	[tilespmem:$0x18200] =	vst v63  }
0x7b: {  	s31 =	rddreg [dreg:$0x8]  }
0x7c: {  	[spmem:s31] =	stream.indirect.scatter.add.f32 [tilespmem:s19], [sflag:$0x4], $0x1, s17, s17, $0xb8;
	[tilespmem:$0x18200] =	vst v63  }
0x7d: {  	_ =	swait.ge [sflag:s18], $0x8000  }
0x7e: {  	[sflag:s18] =	ssyncset.done $0x0  }
0x7f: {  	[sflag:s18] =	ssyncadd.s32 $0xFFFF8000  }
0x80: {  	_ =	swait.ge [sflag:s15], $0x8000  }
0x81: {  	[sflag:s15] =	ssyncset.done $0x0  }
0x82: {  	[sflag:s15] =	ssyncadd.s32 $0xFFFF8000  }
0x83: {  	[bflag:$0x0] =	sbarrier.arrive $0xFFFF  }
0x84: {  	s0 =	rddreg [dreg:$0x9]  }
0x85: {  	[hbm:s0@s28], [sflag:s25] =	dma.strided @!p0 [spmem:s20@s29], $0x80, s26, $0x10   }
0x86: {  	_ =	swait.ge @!p0 [sflag:s24], $0x80  }
0x87: {  	[sflag:s24] =	ssyncset.done @!p0 $0x0  }
0x88: {  	s0 =	rddreg [dreg:$0xa];
	[sflag:s24] =	ssyncadd.s32 @!p0 $0xFFFFFF80  }
0x89: {  	[hbm:s0@s28], [sflag:s25] =	dma.strided @!p0 [spmem:s16@s29], $0x80, s26, $0x10   }
0x8a: {  	_ =	swait.ge @!p0 [sflag:s24], $0x80  }
0x8b: {  	[sflag:s24] =	ssyncset.done @!p0 $0x0  }
0x8c: {  	s0 =	rddreg [dreg:$0xb];
	[sflag:s24] =	ssyncadd.s32 @!p0 $0xFFFFFF80  }
0x8d: {  	[hbm:s0@s28], [sflag:s25] =	dma.strided @!p0 [spmem:s14@s29], $0x80, s26, $0x10   }
0x8e: {  	_ =	swait.ge @!p0 [sflag:s24], $0x80  }
0x8f: {  	[sflag:s24] =	ssyncset.done @!p0 $0x0  }
0x90: {  	[sflag:s24] =	ssyncadd.s32 @!p0 $0xFFFFFF80  }
0x91: {  	[hbm:s6@s28], [sflag:s25] =	dma.strided @!p0 [spmem:s12@s29], $0x80, s26, $0x10   }
0x92: {  	_ =	swait.ge @!p0 [sflag:s24], $0x80  }
0x93: {  	[sflag:s24] =	ssyncset.done @!p0 $0x0  }
0x94: {  	[sflag:s24] =	ssyncadd.s32 @!p0 $0xFFFFFF80  }
0x95: {  	[hbm:s5@s28], [sflag:s25] =	dma.strided @!p0 [spmem:s11@s29], $0x80, s26, $0x10   }
0x96: {  	_ =	swait.ge @!p0 [sflag:s24], $0x80  }
0x97: {  	[sflag:s24] =	ssyncset.done @!p0 $0x0  }
0x98: {  	[sflag:s24] =	ssyncadd.s32 @!p0 $0xFFFFFF80  }
0x99: {  	[hbm:s4@s28], [sflag:s25] =	dma.strided @!p0 [spmem:s10@s29], $0x80, s26, $0x10   }
0x9a: {  	_ =	swait.ge @!p0 [sflag:s24], $0x80  }
0x9b: {  	[sflag:s24] =	ssyncset.done @!p0 $0x0  }
0x9c: {  	s30 =	sadd.s32 $0xFFFFFFFF, s30;
	[sflag:s24] =	ssyncadd.s32 @!p0 $0xFFFFFF80  }
0x9d: {  	[hbm:s3@s28], [sflag:s25] =	dma.strided @!p0 [spmem:s9@s29], $0x80, s26, $0x10   }
0x9e: {  	p2 =	sne.s32 s30, $0x0;
	_ =	swait.ge @!p0 [sflag:s24], $0x80  }
.Ltmp2:
0x9f: {  	[sflag:s24] =	ssyncset.done @!p0 $0x0;
	(pc) =	sbr.rel @p2 .LBB2_3-.Ltmp2, $4  }
0xa0: {  	[sflag:s24] =	ssyncadd.s32 @!p0 $0xFFFFFF80  }
0xa1: {  	[hbm:s1@s28], [sflag:s25] =	dma.strided @!p0 [spmem:s7@s29], $0x80, s26, $0x10   }
0xa2: {  	_ =	swait.ge @!p0 [sflag:s24], $0x80  }
0xa3: {  	s31 =	rddreg [dreg:$0x5];
	[sflag:s24] =	ssyncset.done @!p0 $0x0  }
.LBB2_4:
0xa4: {  	p1 =	por p0, !p1  }
0xa5: {  	[sflag:s24] =	ssyncadd.s32 @!p1 $0xFFFFFF80  }
0xa6: {  	[tilespmem:s2], [sflag:$0x1] =	stream.linear.gather [hbm4b:s31+s2], $0x8000, $0x38;
	[tilespmem:$0x18200] =	vst v63  }
0xa7: {  	s0 =	rddreg [dreg:$0x6]  }
0xa8: {  	[tilespmem:s17], [sflag:$0x2] =	stream.strided.gather [hbm4b:s0+s22], $0x8000, s23, s22, $0x38;
	[tilespmem:$0x18200] =	vst v63  }
0xa9: {  	s29 =	rddreg [dreg:$0x4];
	s23 =	simm.s32 @!p0 $0x1C05;
	s22 =	simm.s32 @!p0 $0x5  }
0xaa: {  	[tilespmem:s19], [sflag:$0x3] =	stream.linear.gather [hbm4b:s29+s2], $0x8000, $0x38;
	[tilespmem:$0x18200] =	vst v63  }
0xab: {  	[spmem:s20], [sflag:s23] =	dma.local @!p0 [hbm:s13], $0x200  }
0xac: {  	_ =	swait.ge @!p0 [sflag:s22], $0x200  }
0xad: {  	[sflag:s22] =	ssyncset.done @!p0 $0x0  }
0xae: {  	[sflag:s22] =	ssyncadd.s32 @!p0 $0xFFFFFE00  }
0xaf: {  	[spmem:s16], [sflag:s23] =	dma.local @!p0 [hbm:s13], $0x200  }
0xb0: {  	_ =	swait.ge @!p0 [sflag:s22], $0x200  }
0xb1: {  	[sflag:s22] =	ssyncset.done @!p0 $0x0  }
0xb2: {  	[sflag:s22] =	ssyncadd.s32 @!p0 $0xFFFFFE00  }
0xb3: {  	_ =	swait.ge [sflag:s8], $0x8000  }
0xb4: {  	[sflag:s8] =	ssyncset.done $0x0  }
0xb5: {  	[sflag:s8] =	ssyncadd.s32 $0xFFFF8000  }
0xb6: {  	_ =	swait.ge [sflag:s21], $0x8000  }
0xb7: {  	[sflag:s21] =	ssyncset.done $0x0  }
0xb8: {  	[sflag:s21] =	ssyncadd.s32 $0xFFFF8000  }
0xb9: {  	_ =	swait.ge [sflag:s18], $0x8000  }
0xba: {  	[sflag:s18] =	ssyncset.done $0x0  }
0xbb: {  	[sflag:s18] =	ssyncadd.s32 $0xFFFF8000  }
0xbc: {  	[bflag:$0x0] =	sbarrier.arrive $0xFFFF  }
0xbd: {  	s30 =	rddreg [dreg:$0x7]  }
0xbe: {  	[spmem:s30] =	stream.indirect.scatter.add.f32 [tilespmem:s2], [sflag:$0x3], $0x1, s17, s17, $0xb8;
	[tilespmem:$0x18200] =	vst v63  }
0xbf: {  	s31 =	rddreg [dreg:$0x8]  }
0xc0: {  	[spmem:s31] =	stream.indirect.scatter.add.f32 [tilespmem:s19], [sflag:$0x4], $0x1, s17, s17, $0xb8;
	[tilespmem:$0x18200] =	vst v63  }
0xc1: {  	_ =	swait.ge [sflag:s18], $0x8000  }
0xc2: {  	[sflag:s18] =	ssyncset.done $0x0  }
0xc3: {  	[sflag:s18] =	ssyncadd.s32 $0xFFFF8000  }
0xc4: {  	_ =	swait.ge [sflag:s15], $0x8000  }
0xc5: {  	[sflag:s15] =	ssyncset.done $0x0  }
0xc6: {  	[sflag:s15] =	ssyncadd.s32 $0xFFFF8000  }
0xc7: {  	s13 =	simm.s32 @!p0 $0x10;
	[bflag:$0x0] =	sbarrier.arrive $0xFFFF  }
0xc8: {  	s8 =	simm.s32 @!p0 $0x20;
	s2 =	simm.s32 @!p0 $0x1;
	s0 =	rddreg [dreg:$0x9]  }
0xc9: {  	[hbm:s0@s8], [sflag:s23] =	dma.strided @!p0 [spmem:s20@s13], $0x80, s2, $0x10   }
0xca: {  	_ =	swait.ge @!p0 [sflag:s22], $0x80  }
0xcb: {  	[sflag:s22] =	ssyncset.done @!p0 $0x0  }
0xcc: {  	s0 =	rddreg [dreg:$0xa];
	[sflag:s22] =	ssyncadd.s32 @!p0 $0xFFFFFF80  }
0xcd: {  	[hbm:s0@s8], [sflag:s23] =	dma.strided @!p0 [spmem:s16@s13], $0x80, s2, $0x10   }
0xce: {  	_ =	swait.ge @!p0 [sflag:s22], $0x80  }
0xcf: {  	[sflag:s22] =	ssyncset.done @!p0 $0x0  }
0xd0: {  	s0 =	rddreg [dreg:$0xb];
	[sflag:s22] =	ssyncadd.s32 @!p0 $0xFFFFFF80  }
0xd1: {  	[hbm:s0@s8], [sflag:s23] =	dma.strided @!p0 [spmem:s14@s13], $0x80, s2, $0x10   }
0xd2: {  	_ =	swait.ge @!p0 [sflag:s22], $0x80  }
0xd3: {  	[sflag:s22] =	ssyncset.done @!p0 $0x0  }
0xd4: {  	[sflag:s22] =	ssyncadd.s32 @!p0 $0xFFFFFF80  }
0xd5: {  	[hbm:s6@s8], [sflag:s23] =	dma.strided @!p0 [spmem:s12@s13], $0x80, s2, $0x10   }
0xd6: {  	_ =	swait.ge @!p0 [sflag:s22], $0x80  }
0xd7: {  	[sflag:s22] =	ssyncset.done @!p0 $0x0  }
0xd8: {  	[sflag:s22] =	ssyncadd.s32 @!p0 $0xFFFFFF80  }
0xd9: {  	[hbm:s5@s8], [sflag:s23] =	dma.strided @!p0 [spmem:s11@s13], $0x80, s2, $0x10   }
0xda: {  	_ =	swait.ge @!p0 [sflag:s22], $0x80  }
0xdb: {  	[sflag:s22] =	ssyncset.done @!p0 $0x0  }
0xdc: {  	[sflag:s22] =	ssyncadd.s32 @!p0 $0xFFFFFF80  }
0xdd: {  	[hbm:s4@s8], [sflag:s23] =	dma.strided @!p0 [spmem:s10@s13], $0x80, s2, $0x10   }
0xde: {  	_ =	swait.ge @!p0 [sflag:s22], $0x80  }
0xdf: {  	[sflag:s22] =	ssyncset.done @!p0 $0x0  }
0xe0: {  	[sflag:s22] =	ssyncadd.s32 @!p0 $0xFFFFFF80  }
0xe1: {  	[hbm:s3@s8], [sflag:s23] =	dma.strided @!p0 [spmem:s9@s13], $0x80, s2, $0x10   }
0xe2: {  	_ =	swait.ge @!p0 [sflag:s22], $0x80  }
0xe3: {  	[sflag:s22] =	ssyncset.done @!p0 $0x0  }
0xe4: {  	[sflag:s22] =	ssyncadd.s32 @!p0 $0xFFFFFF80  }
0xe5: {  	[hbm:s1@s8], [sflag:s23] =	dma.strided @!p0 [spmem:s7@s13], $0x80, s2, $0x10   }
0xe6: {  	_ =	swait.ge @!p0 [sflag:s22], $0x80  }
0xe7: {  	[sflag:s22] =	ssyncset.done @!p0 $0x0  }
0xe8: {  	[sflag:s22] =	ssyncadd.s32 @!p0 $0xFFFFFF80  }
0xe9: {  	_ =	sfence.sel $0x180000  }
0xea: {  	[bflag:$0x0] =	sbarrier.arrive $0xFFFF  }
0xeb: {  	_ =	strace $0x90000047  }
0xec: {  	[bflag:$0x2] =	sbarrier.arrive $0xFFFF  }
0xed: {  	s0 =	rddreg [dreg:$0x3]  }
0xee: {  	s0 =	sadd.s32 @!p0 $0x100000, s0  }
0xef: {  	[sflag:s0] =	ssyncadd.tile.s32 @!p0 $0x1;
	_ =	shalt  }
.LBB2_1:
.Ltmp3:
0xf0: {  	(pc) =	sbr.rel .LBB2_4-.Ltmp3, $2  }
0xf1: {  	_ =	sdelay $0x2  }
0xf2: {  	_ = 	snop  }
.Lfunc_end2:
_tile_overlayer_lowered:
.L_overlay_start_2:
0xf3: {  	(tag) =	ssettag $0x2  }
0xf4: {  	s0 =	rddreg [dreg:$0x0];
	s2 =	stileid.u32  }
0xf5: {  	s1 =	rddreg [dreg:$0x1];
	p0 =	sne.s32 s2, $0x0  }
0xf6: {  	s3 =	rddreg [dreg:$0x2];
	[bflag:$0x3] =	sbarrier.arrive $0xFFFF;
	s2 =	simm.s32 @!p0 $0x1C05  }
0xf7: {  	[timem:s3], [sflag:s2] =	dma.local @!p0 [hbm:s0], s1  }
0xf8: {  	s0 =	simm.s32 @!p0 $0x5  }
0xf9: {  	_ =	swait.ge @!p0 [sflag:s0], s1  }
0xfa: {  	s1 =	ssub.s32 @!p0 $0x0, s1;
	[sflag:s0] =	ssyncset.done @!p0 $0x0  }
0xfb: {  	[sflag:s0] =	ssyncadd.s32 @!p0 s1  }
0xfc: {  	[bflag:$0x3] =	sbarrier.arrive $0xFFFF  }
0xfd: {  	_ =	shalt  }

</sc_bundles>
